<compile_context>
chip_gen: v7x
topology: tpu7x:2x2x1
jax: 0.10.2.dev20260603
libtpu: 0.0.44.dev20260713+nightly
codegen_flags: <defaults>
</compile_context>

<pallas_src>
import functools

import jax
import jax.numpy as jnp
from jax.experimental import pallas as pl
from jax.experimental.pallas import tpu as pltpu

_RADIUS = 400.0
_TILE = 256
_WIN = 14


def _feats_concept_kernel(img_ref, pos_ref, wfe_ref, wpos_ref, anc_ref,
                          feats_ref, conc_ref, *, n_valid):
    j = pl.program_id(1)
    img = img_ref[0]
    pos = pos_ref[0]
    feats = jnp.dot(img, wfe_ref[...], preferred_element_type=jnp.float32)
    feats += pos[:, 0:1] * wpos_ref[0:1, :]
    feats += pos[:, 1:2] * wpos_ref[1:2, :]
    feats_ref[0] = feats

    n2 = jnp.sum(img * img, axis=1, keepdims=True)
    xn = img / jnp.maximum(jnp.sqrt(n2), 1e-12)
    a = anc_ref[...]
    an2 = jnp.sum(a * a, axis=1, keepdims=True)
    an = a / jnp.maximum(jnp.sqrt(an2), 1e-12)
    scores = jax.lax.dot_general(xn, an, (((1,), (1,)), ((), ())),
                                 preferred_element_type=jnp.float32)
    gj = j * img.shape[0] + jax.lax.broadcasted_iota(jnp.int32,
                                                     (img.shape[0], 1), 0)
    scores = jnp.where(gj < n_valid, scores, 0.0)
    part = jnp.sum(scores, axis=0, keepdims=True) * (1.0 / n_valid)

    @pl.when(j == 0)
    def _():
        conc_ref[0] = part

    @pl.when(j > 0)
    def _():
        conc_ref[0] += part


def _gnn_kernel(lo_ref, num_ref, feats_ref, posj_ref, post_ref, wg_ref,
                out_ref, agg_ref, deg_ref, *, n_valid, r2, tile, win, ntiles):
    b = pl.program_id(0)
    j = pl.program_id(1)
    t = tile
    posj = posj_ref[0]
    xj = posj[:, 0:1]
    yj = posj[:, 1:2]
    sqj = xj * xj + yj * yj
    gj = j * t + jax.lax.broadcasted_iota(jnp.int32, (t, 1), 0)
    lo = lo_ref[b, j]
    hi = lo + num_ref[b, j]
    lo_c = jnp.minimum(lo, ntiles - win)

    pwin = post_ref[0, :, pl.ds(lo_c * t, win * t)]
    xi = pwin[0:1, :]
    yi = pwin[1:2, :]
    sqi = xi * xi + yi * yi
    pp = jnp.dot(posj, pwin, preferred_element_type=jnp.float32)
    d2 = (sqj + sqi) - 2.0 * pp
    gi = lo_c * t + jax.lax.broadcasted_iota(jnp.int32, (1, win * t), 1)
    mf = ((d2 < r2) & (gj != gi)).astype(jnp.float32)
    fwin = feats_ref[0, pl.ds(lo_c * t, win * t), :]
    agg_ref[...] = jnp.dot(mf, fwin, preferred_element_type=jnp.float32)
    deg_ref[...] = jnp.sum(mf, axis=1, keepdims=True)

    def body(step, carry):
        i = lo_c + win + step
        pi = post_ref[0, :, pl.ds(i * t, t)]
        xi_ = pi[0:1, :]
        yi_ = pi[1:2, :]
        sqi_ = xi_ * xi_ + yi_ * yi_
        pp_ = jnp.dot(posj, pi, preferred_element_type=jnp.float32)
        d2_ = (sqj + sqi_) - 2.0 * pp_
        gi_ = i * t + jax.lax.broadcasted_iota(jnp.int32, (1, t), 1)
        mf_ = ((d2_ < r2) & (gj != gi_)).astype(jnp.float32)
        fi = feats_ref[0, pl.ds(i * t, t), :]
        agg_ref[...] += jnp.dot(mf_, fi, preferred_element_type=jnp.float32)
        deg_ref[...] += jnp.sum(mf_, axis=1, keepdims=True)
        return carry

    jax.lax.fori_loop(0, jnp.maximum(hi - (lo_c + win), 0), body, 0)

    fj = feats_ref[0, pl.ds(j * t, t), :]
    agg = agg_ref[...] / jnp.maximum(deg_ref[...], 1.0)
    h = fj + agg
    act = jnp.maximum(jnp.dot(h, wg_ref[...],
                              preferred_element_type=jnp.float32), 0.0)
    act = jnp.where(gj < n_valid, act, 0.0)
    part = jnp.sum(act, axis=0, keepdims=True) * (1.0 / n_valid)

    @pl.when(j == 0)
    def _():
        out_ref[0] = part

    @pl.when(j > 0)
    def _():
        out_ref[0] += part


def kernel(images, positions, W_fe, W_pos, W_gnn, anchors):
    bsz, n, d = images.shape
    k = anchors.shape[0]
    t = _TILE
    nt = -(-n // t)
    npad = nt * t
    win = min(_WIN, nt)
    r = _RADIUS

    cx = jnp.floor(positions[..., 0] / r).astype(jnp.int32)
    cy = jnp.floor(positions[..., 1] / r).astype(jnp.int32)
    key = cy * 65536 + cx
    perm = jnp.argsort(key, axis=1)
    cy_s = jnp.take_along_axis(cy, perm, axis=1)
    pad = npad - n
    img_s = jnp.take_along_axis(images, perm[..., None], axis=1)
    pos_s = jnp.take_along_axis(positions, perm[..., None], axis=1)
    if pad:
        img_s = jnp.concatenate(
            [img_s, jnp.zeros((bsz, pad, d), jnp.float32)], axis=1)
        pos_s = jnp.concatenate(
            [pos_s, jnp.full((bsz, pad, 2), 1e9, jnp.float32)], axis=1)
        cy_s = jnp.concatenate(
            [cy_s, jnp.full((bsz, pad), 10**6, jnp.int32)], axis=1)

    err = (jnp.max(jnp.abs(positions[..., 0])) ** 2
           + jnp.max(jnp.abs(positions[..., 1])) ** 2) * (2.0 ** -8)
    marg = jnp.ceil(jnp.sqrt(r * r + 2.0 * err + 4096.0) / r).astype(jnp.int32)
    cyt = cy_s.reshape(bsz, nt, t)
    cy_lo = cyt[:, :, 0]
    cy_hi = cyt[:, :, -1]
    lo = jax.vmap(lambda arr, v: jnp.searchsorted(arr, v, side='left'))(
        cy_hi, cy_lo - marg).astype(jnp.int32)
    hi = jax.vmap(lambda arr, v: jnp.searchsorted(arr, v, side='right'))(
        cy_lo, cy_hi + marg).astype(jnp.int32)
    num = hi - lo
    post = jnp.swapaxes(pos_s, 1, 2)

    feats, conc = pl.pallas_call(
        functools.partial(_feats_concept_kernel, n_valid=n),
        grid=(bsz, nt),
        in_specs=[
            pl.BlockSpec((1, t, d), lambda b, j: (b, j, 0)),
            pl.BlockSpec((1, t, 2), lambda b, j: (b, j, 0)),
            pl.BlockSpec((d, d), lambda b, j: (0, 0)),
            pl.BlockSpec((2, d), lambda b, j: (0, 0)),
            pl.BlockSpec((k, d), lambda b, j: (0, 0)),
        ],
        out_specs=[
            pl.BlockSpec((1, t, d), lambda b, j: (b, j, 0)),
            pl.BlockSpec((1, 1, k), lambda b, j: (b, 0, 0)),
        ],
        out_shape=[
            jax.ShapeDtypeStruct((bsz, npad, d), jnp.float32),
            jax.ShapeDtypeStruct((bsz, 1, k), jnp.float32),
        ],
    )(img_s, pos_s, W_fe, W_pos, anchors)

    latent = pl.pallas_call(
        functools.partial(_gnn_kernel, n_valid=n, r2=r * r, tile=t,
                          win=win, ntiles=nt),
        grid=(bsz, nt),
        in_specs=[
            pl.BlockSpec(memory_space=pltpu.SMEM),
            pl.BlockSpec(memory_space=pltpu.SMEM),
            pl.BlockSpec((1, npad, d), lambda b, j: (b, 0, 0)),
            pl.BlockSpec((1, t, 2), lambda b, j: (b, j, 0)),
            pl.BlockSpec((1, 2, npad), lambda b, j: (b, 0, 0)),
            pl.BlockSpec((d, d), lambda b, j: (0, 0)),
        ],
        out_specs=pl.BlockSpec((1, 1, d), lambda b, j: (b, 0, 0)),
        out_shape=jax.ShapeDtypeStruct((bsz, 1, d), jnp.float32),
        scratch_shapes=[
            pltpu.VMEM((t, d), jnp.float32),
            pltpu.VMEM((t, 1), jnp.float32),
        ],
    )(lo, num, feats, pos_s, post, W_gnn)

    return jnp.concatenate([latent[:, 0, :], conc[:, 0, :]], axis=1)

# --- scband reference (transcript-rebuilt; emitter-appended) ---
"""Pipeline reference for scband-milmodel-with-positional-encoding-65747359367324 (READ-ONLY COPY).

The authoritative reference and input builder live on the scoring server;
editing this copy changes nothing except your own understanding.
"""

import jax, jax.numpy as jnp
import numpy as np

B = 2; N = 10000; D = 256; K = 8
POS_SCALE = 17725.0; RADIUS = 400.0


def setup_inputs(seed: int = 0):
    key = jax.random.key(seed)
    ks = jax.random.split(key, 6)
    images = jax.random.normal(ks[0], (B, N, D), dtype=jnp.float32)
    positions = jax.random.uniform(ks[1], (B, N, 2), dtype=jnp.float32) * POS_SCALE
    W_fe = jax.random.normal(ks[2], (D, D), dtype=jnp.float32) / np.sqrt(D)
    W_pos = jax.random.normal(ks[3], (2, D), dtype=jnp.float32) * 0.01
    W_gnn = jax.random.normal(ks[4], (D, D), dtype=jnp.float32) / np.sqrt(D)
    anchors = jax.random.normal(ks[5], (K, D), dtype=jnp.float32)
    return {"images": images, "positions": positions, "W_fe": W_fe,
            "W_pos": W_pos, "W_gnn": W_gnn, "anchors": anchors}


def _radius_graph(pos, r):
    # faithful to simple_radius_graph: dist < r, no self-loops, directed both ways
    sq = jnp.sum(pos * pos, axis=1)
    d2 = sq[:, None] + sq[None, :] - 2.0 * (pos @ pos.T)
    n = pos.shape[0]
    mask = d2 < (r * r)
    idx = jnp.arange(n)
    mask = mask.at[idx, idx].set(False)
    return mask


def _build_batched_edges(positions):
    # torch_geometric.Batch.from_data_list: block-diagonal batched graph,
    # represented as per-bag adjacency masks (edges never cross bags)
    masks = []
    for i in range(B):
        masks.append(_radius_graph(positions[i], RADIUS))
    return jnp.stack(masks, axis=0)


def _forward(images, positions, W_fe, W_pos, W_gnn, anchors, adj):
    # Stream A: ExplicitConceptQuantifier -> patient-level concept profile
    x_norm = images / jnp.clip(jnp.linalg.norm(images, axis=-1, keepdims=True), 1e-12)
    a_norm = anchors / jnp.clip(jnp.linalg.norm(anchors, axis=-1, keepdims=True), 1e-12)
    scores = jnp.einsum('bnd,kd->bnk', x_norm, a_norm)      # (B, N, K)
    concept_profiles = scores.mean(axis=1)                   # (B, K)
    # feature extractor with positional encoding (returns (B, N, D))
    feats = jnp.einsum('bnd,de->bne', images, W_fe) + jnp.einsum('bnp,pe->bne', positions, W_pos)
    # GNN: mean-aggregation message passing over batched radius graph
    m = adj.astype(jnp.float32)                              # (B, N, N)
    agg = jnp.einsum('bij,bid->bjd', m, feats)               # sum of msgs into dst
    deg = jnp.einsum('bij->bj', m)                           # in-degree per node
    agg = agg / jnp.clip(deg, 1.0)[..., None]
    refined = jax.nn.relu((feats + agg) @ W_gnn)             # (B, N, D)
    # mean-pool each bag -> stack
    latent_spatial = refined.mean(axis=1)                    # (B, D)
    return jnp.concatenate([latent_spatial, concept_profiles], axis=1)  # (B, D+K)


def reference(images, positions, W_fe, W_pos, W_gnn, anchors):
    adj = _build_batched_edges(positions)
    return _forward(images, positions, W_fe, W_pos, W_gnn, anchors, adj)

if __name__ == "__main__":
    import jax
    _d = setup_inputs()
    print(jax.jit(kernel)(*tuple(_d.values())))

</pallas_src>

<mosaic_0001>
module attributes {stable_mosaic.version = 14 : i64} {
  func.func @_feats_concept_kernel(%arg0: i32, %arg1: i32, %arg2: memref<1x256x256xf32, #tpu.memory_space<vmem>>, %arg3: memref<1x256x2xf32, #tpu.memory_space<vmem>>, %arg4: memref<256x256xf32, #tpu.memory_space<vmem>>, %arg5: memref<2x256xf32, #tpu.memory_space<vmem>>, %arg6: memref<8x256xf32, #tpu.memory_space<vmem>>, %arg7: memref<1x256x256xf32, #tpu.memory_space<vmem>>, %arg8: memref<1x1x8xf32, #tpu.memory_space<vmem>>) attributes {dimension_semantics = [#tpu.dimension_semantics<arbitrary>, #tpu.dimension_semantics<arbitrary>], iteration_bounds = array<i64: 2, 40>, scalar_prefetch = 0 : i64, scratch_operands = 0 : i64, tpu.core_type = #tpu.core_type<tc>, window_params = [{transform_indices = @transform_0, window_bounds = array<i64: 1, 256, 256>}, {transform_indices = @transform_1, window_bounds = array<i64: 1, 256, 2>}, {pipeline_mode = #tpu.pipeline_mode<synchronous>, transform_indices = @transform_2, window_bounds = array<i64: 256, 256>}, {pipeline_mode = #tpu.pipeline_mode<synchronous>, transform_indices = @transform_3, window_bounds = array<i64: 2, 256>}, {pipeline_mode = #tpu.pipeline_mode<synchronous>, transform_indices = @transform_4, window_bounds = array<i64: 8, 256>}, {transform_indices = @transform_5, window_bounds = array<i64: 1, 256, 256>}, {transform_indices = @transform_6, window_bounds = array<i64: 1, 1, 8>}]} {
    %get3A = arith.constant 0 : index
    %get3A_0 = arith.constant 0 : index
    %get3A_1 = arith.constant 0 : index
    %get3A_2 = vector.load %arg2[%get3A, %get3A_0, %get3A_1] : memref<1x256x256xf32, #tpu.memory_space<vmem>>, vector<1x256x256xf32>
    %get3A_3 = vector.shape_cast %get3A_2 : vector<1x256x256xf32> to vector<256x256xf32>
    %get3A_4 = arith.constant 0 : index
    %get3A_5 = arith.constant 0 : index
    %get3A_6 = arith.constant 0 : index
    %get3A_7 = vector.load %arg3[%get3A_4, %get3A_5, %get3A_6] : memref<1x256x2xf32, #tpu.memory_space<vmem>>, vector<1x256x2xf32>
    %get3A_8 = vector.shape_cast %get3A_7 : vector<1x256x2xf32> to vector<256x2xf32>
    %get3A_9 = arith.constant 0 : index
    %get3A_10 = arith.constant 0 : index
    %get3A_11 = vector.load %arg4[%get3A_9, %get3A_10] : memref<256x256xf32, #tpu.memory_space<vmem>>, vector<256x256xf32>
    %dot_general3A = arith.constant dense<0.000000e+00> : vector<256x256xf32>
    %dot_general3A_12 = tpu.matmul %get3A_3, %get3A_11, %dot_general3A {dimension_numbers = #tpu.dot_dimension_numbers<[1], [0], [0], [1], [0, 0, 1, 1], [], []>, transpose_lhs_hint = false} : vector<256x256xf32>, vector<256x256xf32>, vector<256x256xf32> -> vector<256x256xf32>
    %slice3A = vector.extract_strided_slice %get3A_8 {offsets = [0, 0], sizes = [256, 1], strides = [1, 1]} : vector<256x2xf32> to vector<256x1xf32>
    %get3A_13 = arith.constant 0 : index
    %get3A_14 = arith.constant 0 : index
    %get3A_15 = vector.load %arg5[%get3A_13, %get3A_14] : memref<2x256xf32, #tpu.memory_space<vmem>>, vector<1x256xf32>
    %mul3A = vector.broadcast %slice3A : vector<256x1xf32> to vector<256x256xf32>
    %mul3A_16 = vector.broadcast %get3A_15 : vector<1x256xf32> to vector<256x256xf32>
    %mul3A_17 = arith.mulf %mul3A, %mul3A_16 : vector<256x256xf32>
    %add3A = arith.addf %dot_general3A_12, %mul3A_17 : vector<256x256xf32>
    %slice3A_18 = vector.extract_strided_slice %get3A_8 {offsets = [0, 1], sizes = [256, 1], strides = [1, 1]} : vector<256x2xf32> to vector<256x1xf32>
    %get3A_19 = arith.constant 1 : index
    %get3A_20 = arith.constant 0 : index
    %get3A_21 = vector.load %arg5[%get3A_19, %get3A_20] : memref<2x256xf32, #tpu.memory_space<vmem>>, vector<1x256xf32>
    %mul3A_22 = vector.broadcast %slice3A_18 : vector<256x1xf32> to vector<256x256xf32>
    %mul3A_23 = vector.broadcast %get3A_21 : vector<1x256xf32> to vector<256x256xf32>
    %mul3A_24 = arith.mulf %mul3A_22, %mul3A_23 : vector<256x256xf32>
    %add3A_25 = arith.addf %add3A, %mul3A_24 : vector<256x256xf32>
    %swap3A = arith.constant 0 : index
    %swap3A_26 = arith.constant 0 : index
    %swap3A_27 = arith.constant 0 : index
    %swap3A_28 = vector.load %arg7[%swap3A, %swap3A_26, %swap3A_27] : memref<1x256x256xf32, #tpu.memory_space<vmem>>, vector<1x256x256xf32>
    %swap3A_29 = vector.shape_cast %swap3A_28 : vector<1x256x256xf32> to vector<256x256xf32>
    %swap3A_30 = vector.shape_cast %add3A_25 : vector<256x256xf32> to vector<1x256x256xf32>
    tpu.vector_store %arg7[%swap3A, %swap3A_26, %swap3A_27], %swap3A_30 {strides = array<i32>} : memref<1x256x256xf32, #tpu.memory_space<vmem>>, vector<1x256x256xf32>,
    %mul3A_31 = arith.mulf %get3A_3, %get3A_3 : vector<256x256xf32>
    %reduce_sum3A = arith.constant dense<0.000000e+00> : vector<256xf32>
    %reduce_sum3A_32 = vector.multi_reduction <add>, %mul3A_31, %reduce_sum3A [1] : vector<256x256xf32> to vector<256xf32>
    %broadcast_in_dim3A = vector.shape_cast %reduce_sum3A_32 : vector<256xf32> to vector<256x1xf32>
    %sqrt3A = math.sqrt %broadcast_in_dim3A : vector<256x1xf32>
    %max3A = arith.constant 9.99999996E-13 : f32
    %max3A_33 = vector.broadcast %max3A : f32 to vector<256x1xf32>
    %max3A_34 = arith.maximumf %sqrt3A, %max3A_33 : vector<256x1xf32>
    %div3A = vector.broadcast %max3A_34 : vector<256x1xf32> to vector<256x256xf32>
    %div3A_35 = arith.divf %get3A_3, %div3A : vector<256x256xf32>
    %get3A_36 = arith.constant 0 : index
    %get3A_37 = arith.constant 0 : index
    %get3A_38 = vector.load %arg6[%get3A_36, %get3A_37] : memref<8x256xf32, #tpu.memory_space<vmem>>, vector<8x256xf32>
    %mul3A_39 = arith.mulf %get3A_38, %get3A_38 : vector<8x256xf32>
    %reduce_sum3A_40 = arith.constant dense<0.000000e+00> : vector<8xf32>
    %reduce_sum3A_41 = vector.multi_reduction <add>, %mul3A_39, %reduce_sum3A_40 [1] : vector<8x256xf32> to vector<8xf32>
    %broadcast_in_dim3A_42 = vector.shape_cast %reduce_sum3A_41 : vector<8xf32> to vector<8x1xf32>
    %sqrt3A_43 = math.sqrt %broadcast_in_dim3A_42 : vector<8x1xf32>
    %max3A_44 = arith.constant 9.99999996E-13 : f32
    %max3A_45 = vector.broadcast %max3A_44 : f32 to vector<8x1xf32>
    %max3A_46 = arith.maximumf %sqrt3A_43, %max3A_45 : vector<8x1xf32>
    %div3A_47 = vector.broadcast %max3A_46 : vector<8x1xf32> to vector<8x256xf32>
    %div3A_48 = arith.divf %get3A_38, %div3A_47 : vector<8x256xf32>
    %dot_general3A_49 = arith.constant dense<0.000000e+00> : vector<256x8xf32>
    %dot_general3A_50 = tpu.matmul %div3A_35, %div3A_48, %dot_general3A_49 {dimension_numbers = #tpu.dot_dimension_numbers<[1], [1], [0], [0], [0, 0, 1, 0], [], []>, transpose_lhs_hint = false} : vector<256x256xf32>, vector<8x256xf32>, vector<256x8xf32> -> vector<256x8xf32>
    %mul3A_51 = arith.constant 256 : i32
    %mul3A_52 = arith.muli %arg1, %mul3A_51 : i32
    %iota3A = tpu.iota {dimensions = array<i32: 0>} : vector<256x1xi32>
    %add3A_53 = vector.broadcast %mul3A_52 : i32 to vector<256x1xi32>
    %add3A_54 = arith.addi %add3A_53, %iota3A : vector<256x1xi32>
    %lt3A = arith.constant 10000 : i32
    %lt3A_55 = vector.broadcast %lt3A : i32 to vector<256x1xi32>
    %lt3A_56 = arith.cmpi slt, %add3A_54, %lt3A_55 : vector<256x1xi32>
    %jit3A = arith.constant 0.000000e+00 : f32
    %broadcast_in_dim3A_57 = vector.shape_cast %lt3A_56 : vector<256x1xi1> to vector<256x1xi1>
    %broadcast_in_dim3A_58 = vector.broadcast %broadcast_in_dim3A_57 : vector<256x1xi1> to vector<256x8xi1>
    %broadcast_in_dim3A_59 = vector.broadcast %jit3A : f32 to vector<256x8xf32>
    %select_n3A = arith.select %broadcast_in_dim3A_58, %dot_general3A_50, %broadcast_in_dim3A_59 : vector<256x8xi1>, vector<256x8xf32>
    %reduce_sum3A_60 = arith.constant dense<0.000000e+00> : vector<8xf32>
    %reduce_sum3A_61 = vector.multi_reduction <add>, %select_n3A, %reduce_sum3A_60 [0] : vector<256x8xf32> to vector<8xf32>
    %broadcast_in_dim3A_62 = vector.shape_cast %reduce_sum3A_61 : vector<8xf32> to vector<1x8xf32>
    %mul3A_63 = arith.constant 9.99999974E-5 : f32
    %mul3A_64 = vector.broadcast %mul3A_63 : f32 to vector<1x8xf32>
    %mul3A_65 = arith.mulf %broadcast_in_dim3A_62, %mul3A_64 : vector<1x8xf32>
    %eq3A = arith.constant 0 : i32
    %eq3A_66 = arith.cmpi eq, %arg1, %eq3A : i32
    %convert_element_type3A = arith.extui %eq3A_66 : i1 to i32
    %cond3A = arith.constant 0 : i32
    %cond3A_67 = arith.cmpi ne, %convert_element_type3A, %cond3A : i32
    scf.if %cond3A_67 {
      %swap3A_72 = arith.constant 0 : index
      %swap3A_73 = arith.constant 0 : index
      %swap3A_74 = arith.constant 0 : index
      %swap3A_75 = vector.load %arg8[%swap3A_72, %swap3A_73, %swap3A_74] : memref<1x1x8xf32, #tpu.memory_space<vmem>>, vector<1x1x8xf32>
      %swap3A_76 = vector.shape_cast %swap3A_75 : vector<1x1x8xf32> to vector<1x8xf32>
      %swap3A_77 = vector.shape_cast %mul3A_65 : vector<1x8xf32> to vector<1x1x8xf32>
      tpu.vector_store %arg8[%swap3A_72, %swap3A_73, %swap3A_74], %swap3A_77 {strides = array<i32>} : memref<1x1x8xf32, #tpu.memory_space<vmem>>, vector<1x1x8xf32>,
    } else {
    }
    %gt3A = arith.constant 0 : i32
    %gt3A_68 = arith.cmpi sgt, %arg1, %gt3A : i32
    %convert_element_type3A_69 = arith.extui %gt3A_68 : i1 to i32
    %cond3A_70 = arith.constant 0 : i32
    %cond3A_71 = arith.cmpi ne, %convert_element_type3A_69, %cond3A_70 : i32
    scf.if %cond3A_71 {
      %get3A_72 = arith.constant 0 : index
      %get3A_73 = arith.constant 0 : index
      %get3A_74 = arith.constant 0 : index
      %get3A_75 = vector.load %arg8[%get3A_72, %get3A_73, %get3A_74] : memref<1x1x8xf32, #tpu.memory_space<vmem>>, vector<1x1x8xf32>
      %get3A_76 = vector.shape_cast %get3A_75 : vector<1x1x8xf32> to vector<1x8xf32>
      %add3A_77 = arith.addf %get3A_76, %mul3A_65 : vector<1x8xf32>
      %swap3A_78 = arith.constant 0 : index
      %swap3A_79 = arith.constant 0 : index
      %swap3A_80 = arith.constant 0 : index
      %swap3A_81 = vector.load %arg8[%swap3A_78, %swap3A_79, %swap3A_80] : memref<1x1x8xf32, #tpu.memory_space<vmem>>, vector<1x1x8xf32>
      %swap3A_82 = vector.shape_cast %swap3A_81 : vector<1x1x8xf32> to vector<1x8xf32>
      %swap3A_83 = vector.shape_cast %add3A_77 : vector<1x8xf32> to vector<1x1x8xf32>
      tpu.vector_store %arg8[%swap3A_78, %swap3A_79, %swap3A_80], %swap3A_83 {strides = array<i32>} : memref<1x1x8xf32, #tpu.memory_space<vmem>>, vector<1x1x8xf32>,
    } else {
    }
    return
  }
  func.func @transform_0(%arg0: i32, %arg1: i32) -> (i32, i32, i32) {
    %c0_i32 = arith.constant 0 : i32
    %c0_i32_0 = arith.constant 0 : i32
    return %arg0, %arg1, %c0_i32 : i32, i32, i32
  }
  func.func @transform_1(%arg0: i32, %arg1: i32) -> (i32, i32, i32) {
    %c0_i32 = arith.constant 0 : i32
    %c0_i32_0 = arith.constant 0 : i32
    return %arg0, %arg1, %c0_i32 : i32, i32, i32
  }
  func.func @transform_2(%arg0: i32, %arg1: i32) -> (i32, i32) {
    %c0_i32 = arith.constant 0 : i32
    %c0_i32_0 = arith.constant 0 : i32
    %c0_i32_1 = arith.constant 0 : i32
    return %c0_i32, %c0_i32_0 : i32, i32
  }
  func.func @transform_3(%arg0: i32, %arg1: i32) -> (i32, i32) {
    %c0_i32 = arith.constant 0 : i32
    %c0_i32_0 = arith.constant 0 : i32
    %c0_i32_1 = arith.constant 0 : i32
    return %c0_i32, %c0_i32_0 : i32, i32
  }
  func.func @transform_4(%arg0: i32, %arg1: i32) -> (i32, i32) {
    %c0_i32 = arith.constant 0 : i32
    %c0_i32_0 = arith.constant 0 : i32
    %c0_i32_1 = arith.constant 0 : i32
    return %c0_i32, %c0_i32_0 : i32, i32
  }
  func.func @transform_5(%arg0: i32, %arg1: i32) -> (i32, i32, i32) {
    %c0_i32 = arith.constant 0 : i32
    %c0_i32_0 = arith.constant 0 : i32
    return %arg0, %arg1, %c0_i32 : i32, i32, i32
  }
  func.func @transform_6(%arg0: i32, %arg1: i32) -> (i32, i32, i32) {
    %c0_i32 = arith.constant 0 : i32
    %c0_i32_0 = arith.constant 0 : i32
    %c0_i32_1 = arith.constant 0 : i32
    return %arg0, %c0_i32, %c0_i32_0 : i32, i32, i32
  }
}

module attributes {stable_mosaic.version = 14 : i64} {
  func.func @_gnn_kernel(%arg0: i32, %arg1: i32, %arg2: memref<2x40xi32, #tpu.memory_space<smem>>, %arg3: memref<2x40xi32, #tpu.memory_space<smem>>, %arg4: memref<1x10240x256xf32, #tpu.memory_space<vmem>>, %arg5: memref<1x256x2xf32, #tpu.memory_space<vmem>>, %arg6: memref<1x2x10240xf32, #tpu.memory_space<vmem>>, %arg7: memref<256x256xf32, #tpu.memory_space<vmem>>, %arg8: memref<1x1x256xf32, #tpu.memory_space<vmem>>, %arg9: memref<256x256xf32, #tpu.memory_space<vmem>>, %arg10: memref<256x1xf32, #tpu.memory_space<vmem>>) attributes {dimension_semantics = [#tpu.dimension_semantics<arbitrary>, #tpu.dimension_semantics<arbitrary>], iteration_bounds = array<i64: 2, 40>, scalar_prefetch = 0 : i64, scratch_operands = 2 : i64, tpu.core_type = #tpu.core_type<tc>, window_params = [{transform_indices = @transform_0, window_bounds = array<i64: 2, 40>}, {transform_indices = @transform_1, window_bounds = array<i64: 2, 40>}, {transform_indices = @transform_2, window_bounds = array<i64: 1, 10240, 256>}, {transform_indices = @transform_3, window_bounds = array<i64: 1, 256, 2>}, {transform_indices = @transform_4, window_bounds = array<i64: 1, 2, 10240>}, {pipeline_mode = #tpu.pipeline_mode<synchronous>, transform_indices = @transform_5, window_bounds = array<i64: 256, 256>}, {transform_indices = @transform_6, window_bounds = array<i64: 1, 1, 256>}]} {
    %get3A = arith.constant 0 : index
    %get3A_0 = arith.constant 0 : index
    %get3A_1 = arith.constant 0 : index
    %get3A_2 = vector.load %arg5[%get3A, %get3A_0, %get3A_1] : memref<1x256x2xf32, #tpu.memory_space<vmem>>, vector<1x256x2xf32>
    %get3A_3 = vector.shape_cast %get3A_2 : vector<1x256x2xf32> to vector<256x2xf32>
    %slice3A = vector.extract_strided_slice %get3A_3 {offsets = [0, 0], sizes = [256, 1], strides = [1, 1]} : vector<256x2xf32> to vector<256x1xf32>
    %slice3A_4 = vector.extract_strided_slice %get3A_3 {offsets = [0, 1], sizes = [256, 1], strides = [1, 1]} : vector<256x2xf32> to vector<256x1xf32>
    %mul3A = arith.mulf %slice3A, %slice3A : vector<256x1xf32>
    %mul3A_5 = arith.mulf %slice3A_4, %slice3A_4 : vector<256x1xf32>
    %add3A = arith.addf %mul3A, %mul3A_5 : vector<256x1xf32>
    %mul3A_6 = arith.constant 256 : i32
    %mul3A_7 = arith.muli %arg1, %mul3A_6 : i32
    %iota3A = tpu.iota {dimensions = array<i32: 0>} : vector<256x1xi32>
    %add3A_8 = vector.broadcast %mul3A_7 : i32 to vector<256x1xi32>
    %add3A_9 = arith.addi %add3A_8, %iota3A : vector<256x1xi32>
    %get3A_10 = arith.index_cast %arg0 : i32 to index
    %get3A_11 = arith.index_cast %arg1 : i32 to index
    %get3A_12 = memref.load %arg2[%get3A_10, %get3A_11] : memref<2x40xi32, #tpu.memory_space<smem>>
    %get3A_13 = arith.index_cast %arg0 : i32 to index
    %get3A_14 = arith.index_cast %arg1 : i32 to index
    %get3A_15 = memref.load %arg3[%get3A_13, %get3A_14] : memref<2x40xi32, #tpu.memory_space<smem>>
    %add3A_16 = arith.addi %get3A_12, %get3A_15 : i32
    %min3A = arith.constant 26 : i32
    %min3A_17 = arith.minsi %get3A_12, %min3A : i32
    %mul3A_18 = arith.constant 256 : i32
    %mul3A_19 = arith.muli %min3A_17, %mul3A_18 : i32
    %get3A_20 = arith.constant 0 : index
    %get3A_21 = arith.constant 0 : index
    %get3A_22 = arith.index_cast %mul3A_19 : i32 to index
    %get3A_23 = vector.load %arg6[%get3A_20, %get3A_21, %get3A_22] : memref<1x2x10240xf32, #tpu.memory_space<vmem>>, vector<1x2x3584xf32>
    %get3A_24 = vector.shape_cast %get3A_23 : vector<1x2x3584xf32> to vector<2x3584xf32>
    %slice3A_25 = vector.extract_strided_slice %get3A_24 {offsets = [0, 0], sizes = [1, 3584], strides = [1, 1]} : vector<2x3584xf32> to vector<1x3584xf32>
    %slice3A_26 = vector.extract_strided_slice %get3A_24 {offsets = [1, 0], sizes = [1, 3584], strides = [1, 1]} : vector<2x3584xf32> to vector<1x3584xf32>
    %mul3A_27 = arith.mulf %slice3A_25, %slice3A_25 : vector<1x3584xf32>
    %mul3A_28 = arith.mulf %slice3A_26, %slice3A_26 : vector<1x3584xf32>
    %add3A_29 = arith.addf %mul3A_27, %mul3A_28 : vector<1x3584xf32>
    %dot_general3A = arith.constant dense<0.000000e+00> : vector<256x3584xf32>
    %dot_general3A_30 = tpu.matmul %get3A_3, %get3A_24, %dot_general3A {dimension_numbers = #tpu.dot_dimension_numbers<[1], [0], [0], [1], [0, 0, 1, 1], [], []>, transpose_lhs_hint = false} : vector<256x2xf32>, vector<2x3584xf32>, vector<256x3584xf32> -> vector<256x3584xf32>
    %add3A_31 = vector.broadcast %add3A : vector<256x1xf32> to vector<256x3584xf32>
    %add3A_32 = vector.broadcast %add3A_29 : vector<1x3584xf32> to vector<256x3584xf32>
    %add3A_33 = arith.addf %add3A_31, %add3A_32 : vector<256x3584xf32>
    %mul3A_34 = arith.constant 2.000000e+00 : f32
    %mul3A_35 = vector.broadcast %mul3A_34 : f32 to vector<256x3584xf32>
    %mul3A_36 = arith.mulf %mul3A_35, %dot_general3A_30 : vector<256x3584xf32>
    %sub3A = arith.subf %add3A_33, %mul3A_36 : vector<256x3584xf32>
    %mul3A_37 = arith.constant 256 : i32
    %mul3A_38 = arith.muli %min3A_17, %mul3A_37 : i32
    %iota3A_39 = tpu.iota {dimensions = array<i32: 1>} : vector<1x3584xi32>
    %add3A_40 = vector.broadcast %mul3A_38 : i32 to vector<1x3584xi32>
    %add3A_41 = arith.addi %add3A_40, %iota3A_39 : vector<1x3584xi32>
    %lt3A = arith.constant 1.600000e+05 : f32
    %lt3A_42 = vector.broadcast %lt3A : f32 to vector<256x3584xf32>
    %lt3A_43 = arith.cmpf olt, %sub3A, %lt3A_42 : vector<256x3584xf32>
    %ne3A = vector.broadcast %add3A_9 : vector<256x1xi32> to vector<256x3584xi32>
    %ne3A_44 = vector.broadcast %add3A_41 : vector<1x3584xi32> to vector<256x3584xi32>
    %ne3A_45 = arith.cmpi ne, %ne3A, %ne3A_44 : vector<256x3584xi32>
    %and3A = arith.andi %lt3A_43, %ne3A_45 : vector<256x3584xi1>
    %convert_element_type3A = arith.extui %and3A : vector<256x3584xi1> to vector<256x3584xi32>
    %convert_element_type3A_46 = arith.sitofp %convert_element_type3A : vector<256x3584xi32> to vector<256x3584xf32>
    %mul3A_47 = arith.constant 256 : i32
    %mul3A_48 = arith.muli %min3A_17, %mul3A_47 : i32
    %get3A_49 = arith.constant 0 : index
    %get3A_50 = arith.index_cast %mul3A_48 : i32 to index
    %get3A_51 = arith.constant 0 : index
    %get3A_52 = vector.load %arg4[%get3A_49, %get3A_50, %get3A_51] : memref<1x10240x256xf32, #tpu.memory_space<vmem>>, vector<1x3584x256xf32>
    %get3A_53 = vector.shape_cast %get3A_52 : vector<1x3584x256xf32> to vector<3584x256xf32>
    %dot_general3A_54 = arith.constant dense<0.000000e+00> : vector<256x256xf32>
    %dot_general3A_55 = tpu.matmul %convert_element_type3A_46, %get3A_53, %dot_general3A_54 {dimension_numbers = #tpu.dot_dimension_numbers<[1], [0], [0], [1], [0, 0, 1, 1], [], []>, transpose_lhs_hint = false} : vector<256x3584xf32>, vector<3584x256xf32>, vector<256x256xf32> -> vector<256x256xf32>
    %swap3A = arith.constant 0 : index
    %swap3A_56 = arith.constant 0 : index
    %swap3A_57 = vector.load %arg9[%swap3A, %swap3A_56] : memref<256x256xf32, #tpu.memory_space<vmem>>, vector<256x256xf32>
    tpu.vector_store %arg9[%swap3A, %swap3A_56], %dot_general3A_55 {strides = array<i32>} : memref<256x256xf32, #tpu.memory_space<vmem>>, vector<256x256xf32>,
    %reduce_sum3A = arith.constant dense<0.000000e+00> : vector<256xf32>
    %reduce_sum3A_58 = vector.multi_reduction <add>, %convert_element_type3A_46, %reduce_sum3A [1] : vector<256x3584xf32> to vector<256xf32>
    %broadcast_in_dim3A = vector.shape_cast %reduce_sum3A_58 : vector<256xf32> to vector<256x1xf32>
    %swap3A_59 = arith.constant 0 : index
    %swap3A_60 = arith.constant 0 : index
    %swap3A_61 = vector.load %arg10[%swap3A_59, %swap3A_60] : memref<256x1xf32, #tpu.memory_space<vmem>>, vector<256x1xf32>
    tpu.vector_store %arg10[%swap3A_59, %swap3A_60], %broadcast_in_dim3A {strides = array<i32>} : memref<256x1xf32, #tpu.memory_space<vmem>>, vector<256x1xf32>,
    %add3A_62 = arith.constant 14 : i32
    %add3A_63 = arith.addi %min3A_17, %add3A_62 : i32
    %sub3A_64 = arith.subi %add3A_16, %add3A_63 : i32
    %max3A = arith.constant 0 : i32
    %max3A_65 = arith.maxsi %sub3A_64, %max3A : i32
    %while3A = arith.constant 0 : i32
    %while3A_66 = arith.constant 0 : i32
    %while3A_67 = arith.subi %max3A_65, %while3A_66 : i32
    %while3A_68 = arith.addi %while3A_66, %while3A_67 : i32
    %while3A_69 = arith.constant 1 : i32
    %while3A_70 = arith.divsi %while3A_67, %while3A_69 : i32
    %while3A_71 = arith.muli %while3A_70, %while3A_69 : i32
    %while3A_72 = arith.addi %while3A_66, %while3A_71 : i32
    %while3A_73 = arith.constant 1 : i32
    scf.for %while3A_120 = %while3A_66 to %while3A_72 step %while3A_73  : i32 {
      %add3A_121 = arith.constant 14 : i32
      %add3A_122 = arith.addi %min3A_17, %add3A_121 : i32
      %add3A_123 = arith.addi %add3A_122, %while3A_120 : i32
      %mul3A_124 = arith.constant 256 : i32
      %mul3A_125 = arith.muli %add3A_123, %mul3A_124 : i32
      %get3A_126 = arith.constant 0 : index
      %get3A_127 = arith.constant 0 : index
      %get3A_128 = arith.index_cast %mul3A_125 : i32 to index
      %get3A_129 = vector.load %arg6[%get3A_126, %get3A_127, %get3A_128] : memref<1x2x10240xf32, #tpu.memory_space<vmem>>, vector<1x2x256xf32>
      %get3A_130 = vector.shape_cast %get3A_129 : vector<1x2x256xf32> to vector<2x256xf32>
      %slice3A_131 = vector.extract_strided_slice %get3A_130 {offsets = [0, 0], sizes = [1, 256], strides = [1, 1]} : vector<2x256xf32> to vector<1x256xf32>
      %slice3A_132 = vector.extract_strided_slice %get3A_130 {offsets = [1, 0], sizes = [1, 256], strides = [1, 1]} : vector<2x256xf32> to vector<1x256xf32>
      %mul3A_133 = arith.mulf %slice3A_131, %slice3A_131 : vector<1x256xf32>
      %mul3A_134 = arith.mulf %slice3A_132, %slice3A_132 : vector<1x256xf32>
      %add3A_135 = arith.addf %mul3A_133, %mul3A_134 : vector<1x256xf32>
      %dot_general3A_136 = arith.constant dense<0.000000e+00> : vector<256x256xf32>
      %dot_general3A_137 = tpu.matmul %get3A_3, %get3A_130, %dot_general3A_136 {dimension_numbers = #tpu.dot_dimension_numbers<[1], [0], [0], [1], [0, 0, 1, 1], [], []>, transpose_lhs_hint = false} : vector<256x2xf32>, vector<2x256xf32>, vector<256x256xf32> -> vector<256x256xf32>
      %add3A_138 = vector.broadcast %add3A : vector<256x1xf32> to vector<256x256xf32>
      %add3A_139 = vector.broadcast %add3A_135 : vector<1x256xf32> to vector<256x256xf32>
      %add3A_140 = arith.addf %add3A_138, %add3A_139 : vector<256x256xf32>
      %mul3A_141 = arith.constant 2.000000e+00 : f32
      %mul3A_142 = vector.broadcast %mul3A_141 : f32 to vector<256x256xf32>
      %mul3A_143 = arith.mulf %mul3A_142, %dot_general3A_137 : vector<256x256xf32>
      %sub3A_144 = arith.subf %add3A_140, %mul3A_143 : vector<256x256xf32>
      %mul3A_145 = arith.constant 256 : i32
      %mul3A_146 = arith.muli %add3A_123, %mul3A_145 : i32
      %iota3A_147 = tpu.iota {dimensions = array<i32: 1>} : vector<1x256xi32>
      %add3A_148 = vector.broadcast %mul3A_146 : i32 to vector<1x256xi32>
      %add3A_149 = arith.addi %add3A_148, %iota3A_147 : vector<1x256xi32>
      %lt3A_150 = arith.constant 1.600000e+05 : f32
      %lt3A_151 = vector.broadcast %lt3A_150 : f32 to vector<256x256xf32>
      %lt3A_152 = arith.cmpf olt, %sub3A_144, %lt3A_151 : vector<256x256xf32>
      %ne3A_153 = vector.broadcast %add3A_9 : vector<256x1xi32> to vector<256x256xi32>
      %ne3A_154 = vector.broadcast %add3A_149 : vector<1x256xi32> to vector<256x256xi32>
      %ne3A_155 = arith.cmpi ne, %ne3A_153, %ne3A_154 : vector<256x256xi32>
      %and3A_156 = arith.andi %lt3A_152, %ne3A_155 : vector<256x256xi1>
      %convert_element_type3A_157 = arith.extui %and3A_156 : vector<256x256xi1> to vector<256x256xi32>
      %convert_element_type3A_158 = arith.sitofp %convert_element_type3A_157 : vector<256x256xi32> to vector<256x256xf32>
      %mul3A_159 = arith.constant 256 : i32
      %mul3A_160 = arith.muli %add3A_123, %mul3A_159 : i32
      %get3A_161 = arith.constant 0 : index
      %get3A_162 = arith.index_cast %mul3A_160 : i32 to index
      %get3A_163 = arith.constant 0 : index
      %get3A_164 = vector.load %arg4[%get3A_161, %get3A_162, %get3A_163] : memref<1x10240x256xf32, #tpu.memory_space<vmem>>, vector<1x256x256xf32>
      %get3A_165 = vector.shape_cast %get3A_164 : vector<1x256x256xf32> to vector<256x256xf32>
      %get3A_166 = arith.constant 0 : index
      %get3A_167 = arith.constant 0 : index
      %get3A_168 = vector.load %arg9[%get3A_166, %get3A_167] : memref<256x256xf32, #tpu.memory_space<vmem>>, vector<256x256xf32>
      %dot_general3A_169 = arith.constant dense<0.000000e+00> : vector<256x256xf32>
      %dot_general3A_170 = tpu.matmul %convert_element_type3A_158, %get3A_165, %dot_general3A_169 {dimension_numbers = #tpu.dot_dimension_numbers<[1], [0], [0], [1], [0, 0, 1, 1], [], []>, transpose_lhs_hint = false} : vector<256x256xf32>, vector<256x256xf32>, vector<256x256xf32> -> vector<256x256xf32>
      %add3A_171 = arith.addf %get3A_168, %dot_general3A_170 : vector<256x256xf32>
      %swap3A_172 = arith.constant 0 : index
      %swap3A_173 = arith.constant 0 : index
      %swap3A_174 = vector.load %arg9[%swap3A_172, %swap3A_173] : memref<256x256xf32, #tpu.memory_space<vmem>>, vector<256x256xf32>
      tpu.vector_store %arg9[%swap3A_172, %swap3A_173], %add3A_171 {strides = array<i32>} : memref<256x256xf32, #tpu.memory_space<vmem>>, vector<256x256xf32>,
      %get3A_175 = arith.constant 0 : index
      %get3A_176 = arith.constant 0 : index
      %get3A_177 = vector.load %arg10[%get3A_175, %get3A_176] : memref<256x1xf32, #tpu.memory_space<vmem>>, vector<256x1xf32>
      %reduce_sum3A_178 = arith.constant dense<0.000000e+00> : vector<256xf32>
      %reduce_sum3A_179 = vector.multi_reduction <add>, %convert_element_type3A_158, %reduce_sum3A_178 [1] : vector<256x256xf32> to vector<256xf32>
      %broadcast_in_dim3A_180 = vector.shape_cast %reduce_sum3A_179 : vector<256xf32> to vector<256x1xf32>
      %add3A_181 = arith.addf %get3A_177, %broadcast_in_dim3A_180 : vector<256x1xf32>
      %swap3A_182 = arith.constant 0 : index
      %swap3A_183 = arith.constant 0 : index
      %swap3A_184 = vector.load %arg10[%swap3A_182, %swap3A_183] : memref<256x1xf32, #tpu.memory_space<vmem>>, vector<256x1xf32>
      tpu.vector_store %arg10[%swap3A_182, %swap3A_183], %add3A_181 {strides = array<i32>} : memref<256x1xf32, #tpu.memory_space<vmem>>, vector<256x1xf32>,
    }
    %while3A_74 = arith.constant 1 : i32
    scf.for %while3A_120 = %while3A_72 to %while3A_68 step %while3A_74  : i32 {
      %add3A_121 = arith.constant 14 : i32
      %add3A_122 = arith.addi %min3A_17, %add3A_121 : i32
      %add3A_123 = arith.addi %add3A_122, %while3A_120 : i32
      %mul3A_124 = arith.constant 256 : i32
      %mul3A_125 = arith.muli %add3A_123, %mul3A_124 : i32
      %get3A_126 = arith.constant 0 : index
      %get3A_127 = arith.constant 0 : index
      %get3A_128 = arith.index_cast %mul3A_125 : i32 to index
      %get3A_129 = vector.load %arg6[%get3A_126, %get3A_127, %get3A_128] : memref<1x2x10240xf32, #tpu.memory_space<vmem>>, vector<1x2x256xf32>
      %get3A_130 = vector.shape_cast %get3A_129 : vector<1x2x256xf32> to vector<2x256xf32>
      %slice3A_131 = vector.extract_strided_slice %get3A_130 {offsets = [0, 0], sizes = [1, 256], strides = [1, 1]} : vector<2x256xf32> to vector<1x256xf32>
      %slice3A_132 = vector.extract_strided_slice %get3A_130 {offsets = [1, 0], sizes = [1, 256], strides = [1, 1]} : vector<2x256xf32> to vector<1x256xf32>
      %mul3A_133 = arith.mulf %slice3A_131, %slice3A_131 : vector<1x256xf32>
      %mul3A_134 = arith.mulf %slice3A_132, %slice3A_132 : vector<1x256xf32>
      %add3A_135 = arith.addf %mul3A_133, %mul3A_134 : vector<1x256xf32>
      %dot_general3A_136 = arith.constant dense<0.000000e+00> : vector<256x256xf32>
      %dot_general3A_137 = tpu.matmul %get3A_3, %get3A_130, %dot_general3A_136 {dimension_numbers = #tpu.dot_dimension_numbers<[1], [0], [0], [1], [0, 0, 1, 1], [], []>, transpose_lhs_hint = false} : vector<256x2xf32>, vector<2x256xf32>, vector<256x256xf32> -> vector<256x256xf32>
      %add3A_138 = vector.broadcast %add3A : vector<256x1xf32> to vector<256x256xf32>
      %add3A_139 = vector.broadcast %add3A_135 : vector<1x256xf32> to vector<256x256xf32>
      %add3A_140 = arith.addf %add3A_138, %add3A_139 : vector<256x256xf32>
      %mul3A_141 = arith.constant 2.000000e+00 : f32
      %mul3A_142 = vector.broadcast %mul3A_141 : f32 to vector<256x256xf32>
      %mul3A_143 = arith.mulf %mul3A_142, %dot_general3A_137 : vector<256x256xf32>
      %sub3A_144 = arith.subf %add3A_140, %mul3A_143 : vector<256x256xf32>
      %mul3A_145 = arith.constant 256 : i32
      %mul3A_146 = arith.muli %add3A_123, %mul3A_145 : i32
      %iota3A_147 = tpu.iota {dimensions = array<i32: 1>} : vector<1x256xi32>
      %add3A_148 = vector.broadcast %mul3A_146 : i32 to vector<1x256xi32>
      %add3A_149 = arith.addi %add3A_148, %iota3A_147 : vector<1x256xi32>
      %lt3A_150 = arith.constant 1.600000e+05 : f32
      %lt3A_151 = vector.broadcast %lt3A_150 : f32 to vector<256x256xf32>
      %lt3A_152 = arith.cmpf olt, %sub3A_144, %lt3A_151 : vector<256x256xf32>
      %ne3A_153 = vector.broadcast %add3A_9 : vector<256x1xi32> to vector<256x256xi32>
      %ne3A_154 = vector.broadcast %add3A_149 : vector<1x256xi32> to vector<256x256xi32>
      %ne3A_155 = arith.cmpi ne, %ne3A_153, %ne3A_154 : vector<256x256xi32>
      %and3A_156 = arith.andi %lt3A_152, %ne3A_155 : vector<256x256xi1>
      %convert_element_type3A_157 = arith.extui %and3A_156 : vector<256x256xi1> to vector<256x256xi32>
      %convert_element_type3A_158 = arith.sitofp %convert_element_type3A_157 : vector<256x256xi32> to vector<256x256xf32>
      %mul3A_159 = arith.constant 256 : i32
      %mul3A_160 = arith.muli %add3A_123, %mul3A_159 : i32
      %get3A_161 = arith.constant 0 : index
      %get3A_162 = arith.index_cast %mul3A_160 : i32 to index
      %get3A_163 = arith.constant 0 : index
      %get3A_164 = vector.load %arg4[%get3A_161, %get3A_162, %get3A_163] : memref<1x10240x256xf32, #tpu.memory_space<vmem>>, vector<1x256x256xf32>
      %get3A_165 = vector.shape_cast %get3A_164 : vector<1x256x256xf32> to vector<256x256xf32>
      %get3A_166 = arith.constant 0 : index
      %get3A_167 = arith.constant 0 : index
      %get3A_168 = vector.load %arg9[%get3A_166, %get3A_167] : memref<256x256xf32, #tpu.memory_space<vmem>>, vector<256x256xf32>
      %dot_general3A_169 = arith.constant dense<0.000000e+00> : vector<256x256xf32>
      %dot_general3A_170 = tpu.matmul %convert_element_type3A_158, %get3A_165, %dot_general3A_169 {dimension_numbers = #tpu.dot_dimension_numbers<[1], [0], [0], [1], [0, 0, 1, 1], [], []>, transpose_lhs_hint = false} : vector<256x256xf32>, vector<256x256xf32>, vector<256x256xf32> -> vector<256x256xf32>
      %add3A_171 = arith.addf %get3A_168, %dot_general3A_170 : vector<256x256xf32>
      %swap3A_172 = arith.constant 0 : index
      %swap3A_173 = arith.constant 0 : index
      %swap3A_174 = vector.load %arg9[%swap3A_172, %swap3A_173] : memref<256x256xf32, #tpu.memory_space<vmem>>, vector<256x256xf32>
      tpu.vector_store %arg9[%swap3A_172, %swap3A_173], %add3A_171 {strides = array<i32>} : memref<256x256xf32, #tpu.memory_space<vmem>>, vector<256x256xf32>,
      %get3A_175 = arith.constant 0 : index
      %get3A_176 = arith.constant 0 : index
      %get3A_177 = vector.load %arg10[%get3A_175, %get3A_176] : memref<256x1xf32, #tpu.memory_space<vmem>>, vector<256x1xf32>
      %reduce_sum3A_178 = arith.constant dense<0.000000e+00> : vector<256xf32>
      %reduce_sum3A_179 = vector.multi_reduction <add>, %convert_element_type3A_158, %reduce_sum3A_178 [1] : vector<256x256xf32> to vector<256xf32>
      %broadcast_in_dim3A_180 = vector.shape_cast %reduce_sum3A_179 : vector<256xf32> to vector<256x1xf32>
      %add3A_181 = arith.addf %get3A_177, %broadcast_in_dim3A_180 : vector<256x1xf32>
      %swap3A_182 = arith.constant 0 : index
      %swap3A_183 = arith.constant 0 : index
      %swap3A_184 = vector.load %arg10[%swap3A_182, %swap3A_183] : memref<256x1xf32, #tpu.memory_space<vmem>>, vector<256x1xf32>
      tpu.vector_store %arg10[%swap3A_182, %swap3A_183], %add3A_181 {strides = array<i32>} : memref<256x1xf32, #tpu.memory_space<vmem>>, vector<256x1xf32>,
    }
    %mul3A_75 = arith.constant 256 : i32
    %mul3A_76 = arith.muli %arg1, %mul3A_75 : i32
    %get3A_77 = arith.constant 0 : index
    %get3A_78 = arith.index_cast %mul3A_76 : i32 to index
    %get3A_79 = arith.constant 0 : index
    %get3A_80 = vector.load %arg4[%get3A_77, %get3A_78, %get3A_79] : memref<1x10240x256xf32, #tpu.memory_space<vmem>>, vector<1x256x256xf32>
    %get3A_81 = vector.shape_cast %get3A_80 : vector<1x256x256xf32> to vector<256x256xf32>
    %get3A_82 = arith.constant 0 : index
    %get3A_83 = arith.constant 0 : index
    %get3A_84 = vector.load %arg9[%get3A_82, %get3A_83] : memref<256x256xf32, #tpu.memory_space<vmem>>, vector<256x256xf32>
    %get3A_85 = arith.constant 0 : index
    %get3A_86 = arith.constant 0 : index
    %get3A_87 = vector.load %arg10[%get3A_85, %get3A_86] : memref<256x1xf32, #tpu.memory_space<vmem>>, vector<256x1xf32>
    %max3A_88 = arith.constant 1.000000e+00 : f32
    %max3A_89 = vector.broadcast %max3A_88 : f32 to vector<256x1xf32>
    %max3A_90 = arith.maximumf %get3A_87, %max3A_89 : vector<256x1xf32>
    %div3A = vector.broadcast %max3A_90 : vector<256x1xf32> to vector<256x256xf32>
    %div3A_91 = arith.divf %get3A_84, %div3A : vector<256x256xf32>
    %add3A_92 = arith.addf %get3A_81, %div3A_91 : vector<256x256xf32>
    %get3A_93 = arith.constant 0 : index
    %get3A_94 = arith.constant 0 : index
    %get3A_95 = vector.load %arg7[%get3A_93, %get3A_94] : memref<256x256xf32, #tpu.memory_space<vmem>>, vector<256x256xf32>
    %dot_general3A_96 = arith.constant dense<0.000000e+00> : vector<256x256xf32>
    %dot_general3A_97 = tpu.matmul %add3A_92, %get3A_95, %dot_general3A_96 {dimension_numbers = #tpu.dot_dimension_numbers<[1], [0], [0], [1], [0, 0, 1, 1], [], []>, transpose_lhs_hint = false} : vector<256x256xf32>, vector<256x256xf32>, vector<256x256xf32> -> vector<256x256xf32>
    %max3A_98 = arith.constant 0.000000e+00 : f32
    %max3A_99 = vector.broadcast %max3A_98 : f32 to vector<256x256xf32>
    %max3A_100 = arith.maximumf %dot_general3A_97, %max3A_99 : vector<256x256xf32>
    %lt3A_101 = arith.constant 10000 : i32
    %lt3A_102 = vector.broadcast %lt3A_101 : i32 to vector<256x1xi32>
    %lt3A_103 = arith.cmpi slt, %add3A_9, %lt3A_102 : vector<256x1xi32>
    %jit3A = arith.constant 0.000000e+00 : f32
    %broadcast_in_dim3A_104 = vector.shape_cast %lt3A_103 : vector<256x1xi1> to vector<256x1xi1>
    %broadcast_in_dim3A_105 = vector.broadcast %broadcast_in_dim3A_104 : vector<256x1xi1> to vector<256x256xi1>
    %broadcast_in_dim3A_106 = vector.broadcast %jit3A : f32 to vector<256x256xf32>
    %select_n3A = arith.select %broadcast_in_dim3A_105, %max3A_100, %broadcast_in_dim3A_106 : vector<256x256xi1>, vector<256x256xf32>
    %reduce_sum3A_107 = arith.constant dense<0.000000e+00> : vector<256xf32>
    %reduce_sum3A_108 = vector.multi_reduction <add>, %select_n3A, %reduce_sum3A_107 [0] : vector<256x256xf32> to vector<256xf32>
    %broadcast_in_dim3A_109 = vector.shape_cast %reduce_sum3A_108 : vector<256xf32> to vector<1x256xf32>
    %mul3A_110 = arith.constant 9.99999974E-5 : f32
    %mul3A_111 = vector.broadcast %mul3A_110 : f32 to vector<1x256xf32>
    %mul3A_112 = arith.mulf %broadcast_in_dim3A_109, %mul3A_111 : vector<1x256xf32>
    %eq3A = arith.constant 0 : i32
    %eq3A_113 = arith.cmpi eq, %arg1, %eq3A : i32
    %convert_element_type3A_114 = arith.extui %eq3A_113 : i1 to i32
    %cond3A = arith.constant 0 : i32
    %cond3A_115 = arith.cmpi ne, %convert_element_type3A_114, %cond3A : i32
    scf.if %cond3A_115 {
      %swap3A_120 = arith.constant 0 : index
      %swap3A_121 = arith.constant 0 : index
      %swap3A_122 = arith.constant 0 : index
      %swap3A_123 = vector.load %arg8[%swap3A_120, %swap3A_121, %swap3A_122] : memref<1x1x256xf32, #tpu.memory_space<vmem>>, vector<1x1x256xf32>
      %swap3A_124 = vector.shape_cast %swap3A_123 : vector<1x1x256xf32> to vector<1x256xf32>
      %swap3A_125 = vector.shape_cast %mul3A_112 : vector<1x256xf32> to vector<1x1x256xf32>
      tpu.vector_store %arg8[%swap3A_120, %swap3A_121, %swap3A_122], %swap3A_125 {strides = array<i32>} : memref<1x1x256xf32, #tpu.memory_space<vmem>>, vector<1x1x256xf32>,
    } else {
    }
    %gt3A = arith.constant 0 : i32
    %gt3A_116 = arith.cmpi sgt, %arg1, %gt3A : i32
    %convert_element_type3A_117 = arith.extui %gt3A_116 : i1 to i32
    %cond3A_118 = arith.constant 0 : i32
    %cond3A_119 = arith.cmpi ne, %convert_element_type3A_117, %cond3A_118 : i32
    scf.if %cond3A_119 {
      %get3A_120 = arith.constant 0 : index
      %get3A_121 = arith.constant 0 : index
      %get3A_122 = arith.constant 0 : index
      %get3A_123 = vector.load %arg8[%get3A_120, %get3A_121, %get3A_122] : memref<1x1x256xf32, #tpu.memory_space<vmem>>, vector<1x1x256xf32>
      %get3A_124 = vector.shape_cast %get3A_123 : vector<1x1x256xf32> to vector<1x256xf32>
      %add3A_125 = arith.addf %get3A_124, %mul3A_112 : vector<1x256xf32>
      %swap3A_126 = arith.constant 0 : index
      %swap3A_127 = arith.constant 0 : index
      %swap3A_128 = arith.constant 0 : index
      %swap3A_129 = vector.load %arg8[%swap3A_126, %swap3A_127, %swap3A_128] : memref<1x1x256xf32, #tpu.memory_space<vmem>>, vector<1x1x256xf32>
      %swap3A_130 = vector.shape_cast %swap3A_129 : vector<1x1x256xf32> to vector<1x256xf32>
      %swap3A_131 = vector.shape_cast %add3A_125 : vector<1x256xf32> to vector<1x1x256xf32>
      tpu.vector_store %arg8[%swap3A_126, %swap3A_127, %swap3A_128], %swap3A_131 {strides = array<i32>} : memref<1x1x256xf32, #tpu.memory_space<vmem>>, vector<1x1x256xf32>,
    } else {
    }
    return
  }
  func.func @transform_0(%arg0: i32, %arg1: i32) -> (i32, i32) {
    %c0_i32 = arith.constant 0 : i32
    %c0_i32_0 = arith.constant 0 : i32
    %c0_i32_1 = arith.constant 0 : i32
    return %c0_i32, %c0_i32_0 : i32, i32
  }
  func.func @transform_1(%arg0: i32, %arg1: i32) -> (i32, i32) {
    %c0_i32 = arith.constant 0 : i32
    %c0_i32_0 = arith.constant 0 : i32
    %c0_i32_1 = arith.constant 0 : i32
    return %c0_i32, %c0_i32_0 : i32, i32
  }
  func.func @transform_2(%arg0: i32, %arg1: i32) -> (i32, i32, i32) {
    %c0_i32 = arith.constant 0 : i32
    %c0_i32_0 = arith.constant 0 : i32
    %c0_i32_1 = arith.constant 0 : i32
    return %arg0, %c0_i32, %c0_i32_0 : i32, i32, i32
  }
  func.func @transform_3(%arg0: i32, %arg1: i32) -> (i32, i32, i32) {
    %c0_i32 = arith.constant 0 : i32
    %c0_i32_0 = arith.constant 0 : i32
    return %arg0, %arg1, %c0_i32 : i32, i32, i32
  }
  func.func @transform_4(%arg0: i32, %arg1: i32) -> (i32, i32, i32) {
    %c0_i32 = arith.constant 0 : i32
    %c0_i32_0 = arith.constant 0 : i32
    %c0_i32_1 = arith.constant 0 : i32
    return %arg0, %c0_i32, %c0_i32_0 : i32, i32, i32
  }
  func.func @transform_5(%arg0: i32, %arg1: i32) -> (i32, i32) {
    %c0_i32 = arith.constant 0 : i32
    %c0_i32_0 = arith.constant 0 : i32
    %c0_i32_1 = arith.constant 0 : i32
    return %c0_i32, %c0_i32_0 : i32, i32
  }
  func.func @transform_6(%arg0: i32, %arg1: i32) -> (i32, i32, i32) {
    %c0_i32 = arith.constant 0 : i32
    %c0_i32_0 = arith.constant 0 : i32
    %c0_i32_1 = arith.constant 0 : i32
    return %arg0, %c0_i32, %c0_i32_0 : i32, i32, i32
  }
}

</mosaic_0001>

<sc_bundles>
// kernel: gather_offload_async_start.1
scs
__scs_entry_jumppad:
0x0: {  	(pc) =	sbr.rel $0x88, $3  }
0x1: {  	(tag) =	ssettag $0x0;
	lr =	simm.s32 $0x1  }
0x2: {  	[smem:$0x3F9B] =	sst lr;
	_ =	strace $0xD0000000  }
0x3: {  	_ = 	snop  }
0x4: {  	_ = 	snop  }
0x5: {  	_ = 	snop  }
0x6: {  	_ = 	snop  }
0x7: {  	_ = 	snop  }
__scs_overlays_trampoline_lowered:
0x8: {  	[smem:$0x3FAA] =	sst s0  }
0x9: {  	[smem:$0x3FAB] =	sst s1  }
0xa: {  	[smem:$0x3FAC] =	sst s2  }
0xb: {  	[smem:$0x3FAD] =	sst s3  }
0xc: {  	[smem:$0x3FAE] =	sst s4  }
0xd: {  	[smem:$0x3FAF] =	sst s5  }
0xe: {  	[smem:$0x3FB0] =	sst s6  }
0xf: {  	[smem:$0x3FB1] =	sst s7  }
0x10: {  	[smem:$0x3FB2] =	sst s8  }
0x11: {  	[smem:$0x3FB3] =	sst s9;
	s0 =	simm.s32 @!p0 $0x0  }
0x12: {  	s1 =	sld [smem:$0x3F99];
	s0 =	simm.s32 @p0 $0x1  }
0x13: {  	[smem:$0x3FB4] =	sst s0;
	s0 =	simm.s32 @!p1 $0x0  }
0x14: {  	s2 =	sld [smem:$0x3F98];
	s0 =	simm.s32 @p1 $0x1  }
0x15: {  	[smem:$0x3FB5] =	sst s0;
	s0 =	simm.s32 @!p2 $0x0  }
0x16: {  	s3 =	sld [smem:$0x3FDB];
	s0 =	simm.s32 @p2 $0x1  }
0x17: {  	s4 =	simm.s32 $0x1BF5;
	[smem:$0x3FB7] =	sst s0  }
0x18: {  	s0 =	sld [smem:$0x3F9A];
	_ =	swait.ge [sflag:s4], $0x0  }
0x19: {  	s7 =	sld [smem:$0x3F9B]  }
0x1a: {  	s8 =	sadd.s32 $0xFFFFE003, lr  }
0x1b: {  	s9 =	sadd.s32 $0xFFFFFEF7, lr;
	s5 =	simm.s32 $0xFFFFFFFF;
	p2 =	slt.u32 s8, $0xFFFFF086  }
0x1c: {  	p1 =	slt.u32 s9, $0xF7A;
	s5 =	simm.s32 @!p2 $0x0  }
0x1d: {  	s5 =	simm.s32 @p1 $0x1;
	p0 =	seq.s32 s7, s2  }
0x1e: {  	s7 =	smul.u32 @!p0 $0xF7A, s2;
	p2 =	seq.s32 @!p0 s5, $0x0  }
0x1f: {  	s9 =	smul.u32 $0xF7A, s1;
	s8 =	simm.s32 @!p0 $0x1BF5;
	p2 =	por !p2, p0  }
0x20: {  	[sflag:s8] =	ssyncset.s32 @!p0 $0xFFFFF086;
	s6 =	sadd.s32 @!p0 s3, s7;
	s7 =	simm.s32 @!p0 $0x108  }
0x21: {  	s3 =	sadd.s32 s3, s9;
	s6 =	sadd.s32 @!p0 $0x88, s6;
	s7 =	simm.s32 @p2 $0x1082  }
0x22: {  	[simem:s7], [sflag:s8] =	dma.local @!p0 [hbm:s6], $0xF7A  }
0x23: {  	s9 =	sor.u32 $0xD0000000, s2;
	s6 =	simm.s32 $0x108;
	_ =	swait.ge @!p0 [sflag:s8], $0x0  }
0x24: {  	s3 =	sadd.s32 $0x88, s3;
	s6 =	simm.s32 @!p1 $0x1082;
	[sflag:s4] =	ssyncset.s32 $0xFFFFF086  }
0x25: {  	[simem:s6], [sflag:s4] =	dma.local [hbm:s3], $0xF7A  }
0x26: {  	[smem:$0x3F9B] =	sst s1;
	(tag) =	ssettag s2;
	_ =	strace s9  }
0x27: {  	s1 =	sld [smem:$0x3FAB]  }
0x28: {  	s2 =	sld [smem:$0x3FAC]  }
0x29: {  	s4 =	sld [smem:$0x3FAE]  }
0x2a: {  	p0 =	seq.s32 s5, $0x0;
	s5 =	sld [smem:$0x3FAF]  }
0x2b: {  	s6 =	sld [smem:$0x3FB0]  }
0x2c: {  	s7 =	sld [smem:$0x3FB1]  }
0x2d: {  	s3 =	simm.s32 $0x108;
	s8 =	sld [smem:$0x3FB2]  }
0x2e: {  	s3 =	simm.s32 @!p0 $0x1082;
	s9 =	sld [smem:$0x3FB3]  }
0x2f: {  	lr =	sadd.s32 s0, s3;
	s0 =	sld [smem:$0x3FAA]  }
0x30: {  	s3 =	sld [smem:$0x3FAD]  }
0x31: {  	[smem:$0x3FB6] =	sst s10  }
0x32: {  	s10 =	sld [smem:$0x3FB4];
	_ =	sdelay $0x3  }
0x33: {  	p0 =	seq.s32 s10, $0x1;
	s10 =	sld [smem:$0x3FB6];
	_ =	sdelay $0x3  }
0x34: {  	[smem:$0x3FB6] =	sst s10  }
0x35: {  	s10 =	sld [smem:$0x3FB5];
	_ =	sdelay $0x3  }
0x36: {  	p1 =	seq.s32 s10, $0x1;
	s10 =	sld [smem:$0x3FB6];
	_ =	sdelay $0x3  }
0x37: {  	[smem:$0x3FB6] =	sst s10  }
0x38: {  	s10 =	sld [smem:$0x3FB7]  }
0x39: {  	_ = 	snop;
	(pc) =	sbr.ind lr, $3  }
0x3a: {  	_ = 	snop  }
0x3b: {  	_ = 	snop  }
0x3c: {  	p2 =	seq.s32 s10, $0x1;
	s10 =	sld [smem:$0x3FB6]  }
0x3d: {  	_ =	shalt  }
0x3e: {  	_ =	shalt  }
0x3f: {  	_ =	shalt  }
0x40: {  	_ =	shalt  }
0x41: {  	_ =	shalt  }
0x42: {  	_ =	shalt  }
0x43: {  	_ =	shalt  }
0x44: {  	_ =	shalt  }
0x45: {  	_ =	shalt  }
0x46: {  	_ =	shalt  }
0x47: {  	_ =	shalt  }
0x48: {  	_ =	shalt  }
0x49: {  	_ =	shalt  }
0x4a: {  	_ =	shalt  }
0x4b: {  	_ =	shalt  }
0x4c: {  	_ =	shalt  }
0x4d: {  	_ =	shalt  }
0x4e: {  	_ =	shalt  }
0x4f: {  	_ =	shalt  }
0x50: {  	_ =	shalt  }
0x51: {  	_ =	shalt  }
0x52: {  	_ =	shalt  }
0x53: {  	_ =	shalt  }
0x54: {  	_ =	shalt  }
0x55: {  	_ =	shalt  }
0x56: {  	_ =	shalt  }
0x57: {  	_ =	shalt  }
0x58: {  	_ =	shalt  }
0x59: {  	_ =	shalt  }
0x5a: {  	_ =	shalt  }
0x5b: {  	_ =	shalt  }
0x5c: {  	_ =	shalt  }
0x5d: {  	_ =	shalt  }
0x5e: {  	_ =	shalt  }
0x5f: {  	_ =	shalt  }
0x60: {  	_ =	shalt  }
0x61: {  	_ =	shalt  }
0x62: {  	_ =	shalt  }
0x63: {  	_ =	shalt  }
0x64: {  	_ =	shalt  }
0x65: {  	_ =	shalt  }
0x66: {  	_ =	shalt  }
0x67: {  	_ =	shalt  }
0x68: {  	_ =	shalt  }
0x69: {  	_ =	shalt  }
0x6a: {  	_ =	shalt  }
0x6b: {  	_ =	shalt  }
0x6c: {  	_ =	shalt  }
0x6d: {  	_ =	shalt  }
0x6e: {  	_ =	shalt  }
0x6f: {  	_ =	shalt  }
0x70: {  	_ =	shalt  }
0x71: {  	_ =	shalt  }
0x72: {  	_ =	shalt  }
0x73: {  	_ =	shalt  }
0x74: {  	_ =	shalt  }
0x75: {  	_ =	shalt  }
0x76: {  	_ =	shalt  }
0x77: {  	_ =	shalt  }
0x78: {  	_ =	shalt  }
0x79: {  	_ =	shalt  }
0x7a: {  	_ =	shalt  }
0x7b: {  	_ =	shalt  }
0x7c: {  	_ =	shalt  }
0x7d: {  	_ =	shalt  }
0x7e: {  	_ =	shalt  }
0x7f: {  	_ =	shalt  }
0x80: {  	_ =	shalt  }
0x81: {  	_ =	shalt  }
0x82: {  	_ =	shalt  }
0x83: {  	_ =	shalt  }
0x84: {  	_ =	shalt  }
0x85: {  	_ =	shalt  }
0x86: {  	_ =	shalt  }
0x87: {  	_ =	shalt  }
.Lfunc_end0:
.L_simem_size_0:
called_computation.1_lowered:
.L_overlay_start_0:
0x88: {  	s2 =	sld [smem:$0x3FD9]  }
0x89: {  	s3 =	sld [smem:$0x3FFE];
	_ =	sdelay $0x1  }
0x8a: {  	s1 =	srdreg.scid  }
0x8b: {  	s0 =	sand.u32 $0x1, s1  }
0x8c: {  	s17 =	sshll.u32 s0, $0xA;
	s2 =	sadd.s32 s3, s2  }
0x8d: {  	s2 =	sadd.s32 s2, s17  }
0x8e: {  	[smem:$0x3FC2] =	sst s2  }
0x8f: {  	_ = 	snop  }
0x90: {  	s2 =	sld [smem:$0x3FC9];
	(tm) =	ssettm $0x1  }
0x91: {  	s18 =	sld [smem:$0x3FFB];
	_ =	sdelay $0x3  }
0x92: {  	_ =	strace s18  }
0x93: {  	s3 =	sld [smem:$0x3FFC];
	_ =	sdelay $0x3  }
0x94: {  	_ =	strace s3  }
0x95: {  	s3 =	sld [smem:$0x3FFD];
	_ =	sdelay $0x3  }
0x96: {  	_ =	strace s3  }
0x97: {  	_ =	strace $0x8FFFFFFF  }
0x98: {  	s19 =	sld [smem:$0x3FDB];
	_ =	sdelay $0x1  }
0x99: {  	s4 =	simm.s32 $_scs_section_size  }
0x9a: {  	s5 =	simm.s32 $_size__tile_overlayer_lowered;
	s6 =	simm.s32 $_tile_overlayer_lowered  }
0x9b: {  	s22 =	simm.s32 $0x1BFF;
	s21 =	sshll.u32 s6, $0x1;
	s3 =	sadd.s32 s4, s19  }
0x9c: {  	s7 =	simm.s32 $0x0;
	s20 =	sshll.u32 s5, $0x1;
	s5 =	sadd.s32 s21, s3  }
0x9d: {  	[timem:s7], [sflag:s22] =	dma.local [hbm:s5], s20  }
0x9e: {  	_ =	swait.ge [sflag:s22], s20  }
0x9f: {  	s4 =	ssub.s32 $0x0, s20;
	[sflag:s22] =	ssyncset.done $0x0  }
0xa0: {  	[sflag:s22] =	ssyncadd.s32 s4;
	_ =	sdelay $0x1  }
0xa1: {  	s23 =	simm.s32 $0x1B8B  }
0xa2: {  	_ =	swait.ge [sflag:s23], $0x1  }
0xa3: {  	[sflag:s23] =	ssyncset.done $0x0  }
0xa4: {  	s25 =	simm.s32 $0x1B8E;
	s24 =	sld [smem:$0x3FFE];
	[sflag:s23] =	ssyncadd.s32 $0xFFFFFFFF  }
0xa5: {  	s26 =	simm.s32 $execute0_lowered;
	[smem:$0x3FD2] =	sst s25  }
0xa6: {  	s5 =	sshll.u32 s26, $0x1;
	_ =	strace $0x8000004C;
	[dreg:$0x1] =	wrdreg $0xFFFFFFFF  }
0xa7: {  	s28 =	simm.s32 $_size_execute0_lowered;
	s3 =	sadd.s32 s3, s5;
	[dreg:$0x0] =	wrdreg $0x0  }
0xa8: {  	s5 =	sshll.u32 s28, $0x1;
	[dreg:$0x2] =	wrdreg s3  }
0xa9: {  	[dreg:$0x3] =	wrdreg s5  }
0xaa: {  	[dreg:$0x4] =	wrdreg $0xC0  }
0xab: {  	_ =	task [dreg:s7], $0x5FFFF  }
0xac: {  	[dreg:$0x1] =	wrdreg $0xFFFFFFFF  }
0xad: {  	[dreg:$0x0] =	wrdreg $0x60  }
0xae: {  	[dreg:$0x2] =	wrdreg s2  }
0xaf: {  	[dreg:$0x3] =	wrdreg s24  }
0xb0: {  	[dreg:$0x4] =	wrdreg $0x9  }
0xb1: {  	_ =	task.clear_ibuf [dreg:s7], $0x5FFFF;
	_ =	strace $0x9000004C  }
0xb2: {  	s29 =	simm.s32 $0x9;
	_ =	strace $0x8000004E  }
0xb3: {  	_ =	swait.ge [sflag:s29], $0x1  }
0xb4: {  	[sflag:s29] =	ssyncadd.s32 $0xFFFFFFFF  }
0xb5: {  	_ =	strace $0x9000004E  }
0xb6: {  	_ =	sfence  }
0xb7: {  	s30 =	sld [smem:$0x0];
	_ =	sdelay $0x2  }
0xb8: {  	s31 =	sshll.u32 s1, $0xD;
	s1 =	sshrl.u32 s1, $0x2  }
0xb9: {  	s3 =	sand.u32 $0x4000, s31;
	s1 =	sadd.s32 s1, s30  }
0xba: {  	s0 =	sor.u32 s3, s0;
	s1 =	sshll.u32 s1, $0x11  }
0xbb: {  	s0 =	sor.u32 s1, s0  }
0xbc: {  	s0 =	sadd.s32 $0x8F2B, s0  }
0xbd: {  	[sflag:s0] =	ssyncadd.remote.s32 $0x1  }
0xbe: {  	_ =	sfence.sel $0xFFFF  }
0xbf: {  	[dreg:$0x0] =	wrdreg $0xFFFFFFFF;
	(pc) =	sbr.abs _section_cstart, $3  }
0xc0: {  	[dreg:$0x1] =	wrdreg $0xFFFFFFFF  }
0xc1: {  	_ =	task.clear_ibuf [dreg:s7], $0x2FFFF;
	_ =	strace $0x9FFFFFFF  }
0xc2: {  	(tm) =	ssettm $0x7FFFFFFF  }
0xc3: {  	_ =	shalt  }
tec
execute0_lowered:
.L_overlay_start_1:
0x0: {  	(tag) =	ssettag $0x1  }
0x1: {  	s0 =	srdreg.scid  }
0x2: {  	s1 =	sshll.u32 s0, $0x4  }
0x3: {  	s0 =	stileid.u32;
	s1 =	sand.u32 $0x10, s1  }
0x4: {  	s2 =	sor.u32 s0, s1  }
0x5: {  	s1 =	smul.u32 $0x3, s2  }
0x6: {  	s3 =	smin.u32 s2, $0x4  }
0x7: {  	s1 =	sadd.s32 s3, s1  }
0x8: {  	p0 =	slt.u32 s2, $0x4;
	s2 =	simm.s32 $0x320;
	s1 =	smul.u32 $0xC8, s1  }
0x9: {  	s2 =	simm.s32 @!p0 $0x258  }
0xa: {  	s2 =	sadd.s32 s2, s1  }
0xb: {  	s3 =	smin.u32 s2, $0x4E20  }
0xc: {  	s7 =	ssub.s32 s3, s1  }
0xd: {  	p0 =	sgt.s32 s7, $0x0  }
0xe: {  	s7 =	simm.s32 @!p0 $0x0  }
0xf: {  	s31 =	sand.u32 $0xFFF8, s7  }
0x10: {  	s2 =	sshrl.u32 s31, $0x3  }
0x11: {  	s4 =	rddreg [dreg:$0x0];
	s2 =	smul.u32 $0x147B, s2  }
0x12: {  	s9 =	rddreg [dreg:$0x1];
	s6 =	simm.s32 $0x1  }
0x13: {  	s11 =	simm.s32 $0x3;
	s13 =	simm.s32 $0x0;
	s8 =	sshrl.u32 s2, $0x11  }
0x14: {  	s12 =	simm.s32 $0x0;
	s5 =	sadd.s32 $0x4FA00, s9;
	s10 =	smul.u32 $0xC8, s8  }
.Ltmp0:
0x15: {  	s9 =	sadd.s32 $0x50400, s9;
	s2 =	rddreg [dreg:$0x2];
	(pc) =	sbr.rel .LBB2_1-.Ltmp0, $4  }
0x16: {  	_ =	strace $0x8000004D;
	p0 =	sne.s32 s7, s10;
	s10 =	simm.s32 $0x1  }
0x17: {  	[sflag:s6] =	ssyncpa.u1 $0x0;
	s7 =	simm.s32 $0x2;
	s10 =	simm.s32 @!p0 $0x0  }
0x18: {  	[sflag:s7] =	ssyncpa.u1 $0x0;
	p0 =	por $0x0, $0x0;
	s8 =	sadd.s32 s8, s10  }
0x19: {  	v0 =	vimm.s32 $0x0;
	vm0 =	vmmov $0xff;
	vm1 =	vcmask $0x3F20;
	[sflag:s11] =	ssyncpa.u1 $0x0;
	s11 =	smov.u32 s1;
	s10 =	sadd.s32 $0x1, s8  }
.LBB2_10:
0x1a: {  	[hbm:s17] =	stream.linear.scatter [tilespmem:s14], [sflag:$0x3], $0x800, $0x38;
	[tilespmem:$0x19190] =	vst v63  }
.LBB2_11:
0x1b: {  	s13 =	sadd.s32 $0xC8, s11  }
0x1c: {  	s15 =	smov.u32 s1;
	p2 =	slt.s32 s13, s3  }
0x1d: {  	s15 =	smov.u32 @p2 s13;
	p2 =	sne.s32 s12, s10  }
.Ltmp1:
0x1e: {  	p1 =	slt.u32 s12, $0x2;
	(pc) =	sbr.rel @!p2 .LBB2_12-.Ltmp1, $4  }
0x1f: {  	s14 =	simm.s32 @!p1 $0x3  }
0x20: {  	s16 =	sadd.s32 $0x1, s12;
	_ =	swait.ge @!p1 [sflag:s14], $0xC800  }
0x21: {  	p0 =	por !p0, !p0;
	s13 =	smov.u32 s11;
	[sflag:s14] =	ssyncset.done @!p1 $0x0  }
0x22: {  	s12 =	smov.u32 s16;
	s11 =	smov.u32 s15;
	[sflag:s14] =	ssyncadd.s32 @!p1 $0xFFFF3800  }
.LBB2_1:
0x23: {  	p1 =	sge.u32 s12, s8  }
0x24: {  	s14 =	sxor.u32 @!p1 $0xFFFFFFFF, s12  }
0x25: {  	s14 =	sand.u32 @!p1 $0x1, s14  }
0x26: {  	s14 =	smul.u32 @!p1 $0x320, s14  }
0x27: {  	s31 =	sadd.s32 $0xFFFFFFFF, s12;
	s15 =	sshrl.u32 @!p1 s11, $0x3  }
0x28: {  	s16 =	sand.u32 @!p1 $0x7, s11;
	s15 =	sadd.s32 @!p1 s5, s15;
	s14 =	sshrl.u32 @!p1 s14, $0x2  }
0x29: {  	[tilespmem:s14], [sflag:$0x2] =	stream.linear.gather @!p1 [hbm4b:s15+s16], $0xC8, $0x38;
	[tilespmem:$0x19190] =	vst v63  }
0x2a: {  	p1 =	sge.u32 s31, s8  }
.Ltmp2:
0x2b: {  	_ = 	snop;
	(pc) =	sbr.rel @p1 .LBB2_11-.Ltmp2, $1  }
0x2c: {  	_ =	sdelay $0x3  }
0x2d: {  	s15 =	sand.u32 $0x1, s12  }
0x2e: {  	s14 =	simm.s32 $0x1;
	s16 =	smul.u32 $0x32000, s15  }
0x2f: {  	_ =	swait.ge [sflag:s7], $0xC8;
	s14 =	simm.s32 @!p0 $0x0;
	s15 =	smul.u32 $0x320, s15  }
0x30: {  	[sflag:s7] =	ssyncset.done $0x0;
	s14 =	smul.u32 $0x32000, s14  }
0x31: {  	[sflag:s7] =	ssyncadd.s32 $0xFFFFFF38  }
0x32: {  	s17 =	sshrl.u32 s16, $0x2;
	s16 =	sshrl.u32 s15, $0x2;
	s14 =	sshrl.u32 s14, $0x2  }
0x33: {  	s15 =	sor.u32 $0x190, s17;
	s17 =	simm.s32 $0x0;
	s14 =	sor.u32 $0x190, s14  }
.LBB2_3:
0x34: {  	s18 =	sshll.u32 s17, $0x4  }
0x35: {  	s18 =	sand.u32 $0x3FFFFFF0, s18  }
0x36: {  	s18 =	sadd.s32 s18, s16  }
0x37: {  	v1 =	vld.msk [tilespmem:s18+$0x0 ss:$0x1], $0xffff;
	_ =	sdelay $0x4  }
0x38: {  	v2 =	vshrl.u32 v1, $0x1  }
0x39: {  	vm2 =	veq.s32 v1, $0x80000000;
	v1 =	vand.u32 $0x1, v1;
	v2 =	vand.u32 $0x3FFF, v2  }
0x3a: {  	vm3 =	veq.s32 v1, $0x1;
	v2 =	vsel vm2, $0xFFFFFFFF, v2  }
0x3b: {  	v1 =	vsel vm3, $0x271000, v0;
	v3 =	vshll.u32 v2, $0x8  }
0x3c: {  	v1 =	vsel vm2, $0xFFD8F000, v1;
	v2 =	vshll.u32 v2, $0x7;
	v3 =	vand.u32 $0xFFFFF800, v3  }
0x3d: {  	s31 =	sshll.u32 s17, $0xC;
	v2 =	vand.u32 $0x380, v2;
	v1 =	vadd.s32 v1, v3  }
0x3e: {  	s18 =	sand.u32 $0x3FFFF000, s31;
	v1 =	vor.u32 v2, v1  }
0x3f: {  	p1 =	por $0x1, $0x1;
	s19 =	simm.s32 $0x0;
	s18 =	sadd.s32 s18, s15;
	v1 =	vshrl.u32 v1, $0x3  }
.LBB2_4:
0x40: {  	_ =	sdelay $0x1  }
0x41: {  	s19 =	sshra.s32 s19, $0x2;
	p2 =	por p1, p1  }
.Ltmp3:
0x42: {  	s19 =	sadd.s32 s19, s18;
	(pc) =	sbr.rel @p2 .LBB2_4-.Ltmp3, $4  }
0x43: {  	[tilespmem:s19], [sflag:$0x1] =	stream.indirect_vreg.gather [hbm:s4], $0x80, v1, vm0, $0x38;
	[tilespmem:$0x19190] =	vst v63  }
0x44: {  	s19 =	sadd.s32 $0x800, s19  }
0x45: {  	[tilespmem:s19], [sflag:$0x1] =	stream.indirect_vreg.gather [hbm:s4], $0x80, v1, vm1, $0x38;
	[tilespmem:$0x19190] =	vst v63  }
0x46: {  	p1 =	por $0x0, $0x0;
	v1 =	vadd.s32 $0x80, v1;
	s19 =	simm.s32 $0x1000  }
0x47: {  	s17 =	sadd.s32 $0x1, s17  }
0x48: {  	p1 =	sne.s32 s17, $0xC  }
.Ltmp4:
0x49: {  	_ = 	snop;
	(pc) =	sbr.rel @p1 .LBB2_3-.Ltmp4, $1  }
0x4a: {  	_ =	sdelay $0x3  }
0x4b: {  	v1 =	vld.msk [tilespmem:s16+$0xC0 ss:$0x1], $0xff;
	_ =	sdelay $0x4  }
0x4c: {  	v2 =	vshrl.u32 v1, $0x1  }
0x4d: {  	vm2 =	veq.s32 v1, $0x80000000;
	v1 =	vand.u32 $0x1, v1;
	v2 =	vand.u32 $0x3FFF, v2  }
0x4e: {  	vm3 =	veq.s32 v1, $0x1;
	v2 =	vsel vm2, $0xFFFFFFFF, v2  }
0x4f: {  	v1 =	vsel vm3, $0x271000, v0;
	v3 =	vshll.u32 v2, $0x8  }
0x50: {  	v1 =	vsel vm2, $0xFFD8F000, v1;
	v2 =	vshll.u32 v2, $0x7;
	v3 =	vand.u32 $0xFFFFF800, v3  }
0x51: {  	v2 =	vand.u32 $0x380, v2;
	v1 =	vadd.s32 v1, v3  }
0x52: {  	v1 =	vor.u32 v2, v1  }
0x53: {  	s16 =	simm.s32 $0x0;
	p1 =	por $0x1, $0x1;
	v1 =	vshrl.u32 v1, $0x3  }
.LBB2_7:
0x54: {  	p2 =	por p1, p1  }
.Ltmp5:
0x55: {  	s16 =	sshra.s32 s16, $0x2;
	(pc) =	sbr.rel @p2 .LBB2_7-.Ltmp5, $4  }
0x56: {  	s16 =	sadd.s32 s16, s15  }
0x57: {  	s16 =	sadd.s32 $0xC000, s16  }
0x58: {  	[tilespmem:s16], [sflag:$0x1] =	stream.indirect_vreg.gather [hbm:s4], $0x80, v1, vm0, $0x38;
	[tilespmem:$0x19190] =	vst v63  }
0x59: {  	p1 =	por $0x0, $0x0;
	v1 =	vadd.s32 $0x80, v1;
	s16 =	simm.s32 $0x1000  }
0x5a: {  	s15 =	sshll.u32 s13, $0x5  }
0x5b: {  	s31 =	sshll.u32 s13, $0x4;
	s15 =	sand.u32 $0xFFFFFF00, s15  }
0x5c: {  	_ =	swait.ge [sflag:s6], $0xC800;
	s13 =	sand.u32 $0x70, s31;
	s15 =	sadd.s32 s15, s9  }
0x5d: {  	s16 =	sadd.s32 $0x800, s14;
	[sflag:s6] =	ssyncset.done $0x0;
	s13 =	sadd.s32 s13, s15  }
0x5e: {  	[sflag:s6] =	ssyncadd.s32 $0xFFFF3800;
	s15 =	simm.s32 $0x100;
	s17 =	sadd.s32 $0x0, s13  }
.LBB2_9:
0x5f: {  	[hbm:s17] =	stream.linear.scatter [tilespmem:s14], [sflag:$0x3], $0x800, $0x38;
	[tilespmem:$0x19190] =	vst v63  }
0x60: {  	s17 =	smov.u32 s15;
	s14 =	smov.u32 s16;
	p1 =	sne.s32 s15, $0x1800  }
.Ltmp6:
0x61: {  	s15 =	sadd.s32 $0x100, s15;
	(pc) =	sbr.rel @p1 .LBB2_9-.Ltmp6, $2  }
0x62: {  	_ =	sdelay $0x2  }
0x63: {  	s16 =	sadd.s32 $0x800, s16;
	s17 =	sadd.s32 s17, s13  }
.Ltmp7:
0x64: {  	_ = 	snop;
	(pc) =	sbr.rel .LBB2_10-.Ltmp7, $1  }
0x65: {  	_ =	sdelay $0x3  }
.LBB2_12:
0x66: {  	_ =	sfence.sel $0x180000  }
0x67: {  	s1 =	simm.s32 $0x2;
	[bflag:$0x0] =	sbarrier.arrive $0xFFFF  }
0x68: {  	s30 =	simm.s32 $0x3;
	[sflag:s1] =	ssyncpa.u1 $0x1  }
0x69: {  	s31 =	simm.s32 $0x1;
	[sflag:s30] =	ssyncpa.u1 $0x1  }
0x6a: {  	[sflag:s31] =	ssyncpa.u1 $0x1  }
0x6b: {  	p0 =	sne.s32 s0, $0x0;
	_ =	strace $0x9000004D  }
0x6c: {  	s0 =	sadd.s32 @!p0 $0x100000, s2;
	[bflag:$0x2] =	sbarrier.arrive $0xFFFF  }
0x6d: {  	[sflag:s0] =	ssyncadd.tile.s32 @!p0 $0x1;
	_ =	shalt  }
.Lfunc_end2:
_tile_overlayer_lowered:
.L_overlay_start_2:
0x6e: {  	(tag) =	ssettag $0x2  }
0x6f: {  	s0 =	rddreg [dreg:$0x0];
	s2 =	stileid.u32  }
0x70: {  	s1 =	rddreg [dreg:$0x1];
	p0 =	sne.s32 s2, $0x0  }
0x71: {  	s3 =	rddreg [dreg:$0x2];
	[bflag:$0x3] =	sbarrier.arrive $0xFFFF;
	s2 =	simm.s32 @!p0 $0x1C01  }
0x72: {  	[timem:s3], [sflag:s2] =	dma.local @!p0 [hbm:s0], s1  }
0x73: {  	s0 =	simm.s32 @!p0 $0x1  }
0x74: {  	_ =	swait.ge @!p0 [sflag:s0], s1  }
0x75: {  	s1 =	ssub.s32 @!p0 $0x0, s1;
	[sflag:s0] =	ssyncset.done @!p0 $0x0  }
0x76: {  	[sflag:s0] =	ssyncadd.s32 @!p0 s1  }
0x77: {  	[bflag:$0x3] =	sbarrier.arrive $0xFFFF  }
0x78: {  	_ =	shalt  }

// kernel: gather_offload_async_start.2
scs
__scs_entry_jumppad:
0x0: {  	(pc) =	sbr.rel $0x88, $3  }
0x1: {  	(tag) =	ssettag $0x0;
	lr =	simm.s32 $0x1  }
0x2: {  	[smem:$0x3F9B] =	sst lr;
	_ =	strace $0xD0000000  }
0x3: {  	_ = 	snop  }
0x4: {  	_ = 	snop  }
0x5: {  	_ = 	snop  }
0x6: {  	_ = 	snop  }
0x7: {  	_ = 	snop  }
__scs_overlays_trampoline_lowered:
0x8: {  	[smem:$0x3FAA] =	sst s0  }
0x9: {  	[smem:$0x3FAB] =	sst s1  }
0xa: {  	[smem:$0x3FAC] =	sst s2  }
0xb: {  	[smem:$0x3FAD] =	sst s3  }
0xc: {  	[smem:$0x3FAE] =	sst s4  }
0xd: {  	[smem:$0x3FAF] =	sst s5  }
0xe: {  	[smem:$0x3FB0] =	sst s6  }
0xf: {  	[smem:$0x3FB1] =	sst s7  }
0x10: {  	[smem:$0x3FB2] =	sst s8  }
0x11: {  	[smem:$0x3FB3] =	sst s9;
	s0 =	simm.s32 @!p0 $0x0  }
0x12: {  	s1 =	sld [smem:$0x3F99];
	s0 =	simm.s32 @p0 $0x1  }
0x13: {  	[smem:$0x3FB4] =	sst s0;
	s0 =	simm.s32 @!p1 $0x0  }
0x14: {  	s2 =	sld [smem:$0x3F98];
	s0 =	simm.s32 @p1 $0x1  }
0x15: {  	[smem:$0x3FB5] =	sst s0;
	s0 =	simm.s32 @!p2 $0x0  }
0x16: {  	s3 =	sld [smem:$0x3FDB];
	s0 =	simm.s32 @p2 $0x1  }
0x17: {  	s4 =	simm.s32 $0x1BF5;
	[smem:$0x3FB7] =	sst s0  }
0x18: {  	s0 =	sld [smem:$0x3F9A];
	_ =	swait.ge [sflag:s4], $0x0  }
0x19: {  	s7 =	sld [smem:$0x3F9B]  }
0x1a: {  	s8 =	sadd.s32 $0xFFFFE003, lr  }
0x1b: {  	s9 =	sadd.s32 $0xFFFFFEF7, lr;
	s5 =	simm.s32 $0xFFFFFFFF;
	p2 =	slt.u32 s8, $0xFFFFF086  }
0x1c: {  	p1 =	slt.u32 s9, $0xF7A;
	s5 =	simm.s32 @!p2 $0x0  }
0x1d: {  	s5 =	simm.s32 @p1 $0x1;
	p0 =	seq.s32 s7, s2  }
0x1e: {  	s7 =	smul.u32 @!p0 $0xF7A, s2;
	p2 =	seq.s32 @!p0 s5, $0x0  }
0x1f: {  	s9 =	smul.u32 $0xF7A, s1;
	s8 =	simm.s32 @!p0 $0x1BF5;
	p2 =	por !p2, p0  }
0x20: {  	[sflag:s8] =	ssyncset.s32 @!p0 $0xFFFFF086;
	s6 =	sadd.s32 @!p0 s3, s7;
	s7 =	simm.s32 @!p0 $0x108  }
0x21: {  	s3 =	sadd.s32 s3, s9;
	s6 =	sadd.s32 @!p0 $0x88, s6;
	s7 =	simm.s32 @p2 $0x1082  }
0x22: {  	[simem:s7], [sflag:s8] =	dma.local @!p0 [hbm:s6], $0xF7A  }
0x23: {  	s9 =	sor.u32 $0xD0000000, s2;
	s6 =	simm.s32 $0x108;
	_ =	swait.ge @!p0 [sflag:s8], $0x0  }
0x24: {  	s3 =	sadd.s32 $0x88, s3;
	s6 =	simm.s32 @!p1 $0x1082;
	[sflag:s4] =	ssyncset.s32 $0xFFFFF086  }
0x25: {  	[simem:s6], [sflag:s4] =	dma.local [hbm:s3], $0xF7A  }
0x26: {  	[smem:$0x3F9B] =	sst s1;
	(tag) =	ssettag s2;
	_ =	strace s9  }
0x27: {  	s1 =	sld [smem:$0x3FAB]  }
0x28: {  	s2 =	sld [smem:$0x3FAC]  }
0x29: {  	s4 =	sld [smem:$0x3FAE]  }
0x2a: {  	p0 =	seq.s32 s5, $0x0;
	s5 =	sld [smem:$0x3FAF]  }
0x2b: {  	s6 =	sld [smem:$0x3FB0]  }
0x2c: {  	s7 =	sld [smem:$0x3FB1]  }
0x2d: {  	s3 =	simm.s32 $0x108;
	s8 =	sld [smem:$0x3FB2]  }
0x2e: {  	s3 =	simm.s32 @!p0 $0x1082;
	s9 =	sld [smem:$0x3FB3]  }
0x2f: {  	lr =	sadd.s32 s0, s3;
	s0 =	sld [smem:$0x3FAA]  }
0x30: {  	s3 =	sld [smem:$0x3FAD]  }
0x31: {  	[smem:$0x3FB6] =	sst s10  }
0x32: {  	s10 =	sld [smem:$0x3FB4];
	_ =	sdelay $0x3  }
0x33: {  	p0 =	seq.s32 s10, $0x1;
	s10 =	sld [smem:$0x3FB6];
	_ =	sdelay $0x3  }
0x34: {  	[smem:$0x3FB6] =	sst s10  }
0x35: {  	s10 =	sld [smem:$0x3FB5];
	_ =	sdelay $0x3  }
0x36: {  	p1 =	seq.s32 s10, $0x1;
	s10 =	sld [smem:$0x3FB6];
	_ =	sdelay $0x3  }
0x37: {  	[smem:$0x3FB6] =	sst s10  }
0x38: {  	s10 =	sld [smem:$0x3FB7]  }
0x39: {  	_ = 	snop;
	(pc) =	sbr.ind lr, $3  }
0x3a: {  	_ = 	snop  }
0x3b: {  	_ = 	snop  }
0x3c: {  	p2 =	seq.s32 s10, $0x1;
	s10 =	sld [smem:$0x3FB6]  }
0x3d: {  	_ =	shalt  }
0x3e: {  	_ =	shalt  }
0x3f: {  	_ =	shalt  }
0x40: {  	_ =	shalt  }
0x41: {  	_ =	shalt  }
0x42: {  	_ =	shalt  }
0x43: {  	_ =	shalt  }
0x44: {  	_ =	shalt  }
0x45: {  	_ =	shalt  }
0x46: {  	_ =	shalt  }
0x47: {  	_ =	shalt  }
0x48: {  	_ =	shalt  }
0x49: {  	_ =	shalt  }
0x4a: {  	_ =	shalt  }
0x4b: {  	_ =	shalt  }
0x4c: {  	_ =	shalt  }
0x4d: {  	_ =	shalt  }
0x4e: {  	_ =	shalt  }
0x4f: {  	_ =	shalt  }
0x50: {  	_ =	shalt  }
0x51: {  	_ =	shalt  }
0x52: {  	_ =	shalt  }
0x53: {  	_ =	shalt  }
0x54: {  	_ =	shalt  }
0x55: {  	_ =	shalt  }
0x56: {  	_ =	shalt  }
0x57: {  	_ =	shalt  }
0x58: {  	_ =	shalt  }
0x59: {  	_ =	shalt  }
0x5a: {  	_ =	shalt  }
0x5b: {  	_ =	shalt  }
0x5c: {  	_ =	shalt  }
0x5d: {  	_ =	shalt  }
0x5e: {  	_ =	shalt  }
0x5f: {  	_ =	shalt  }
0x60: {  	_ =	shalt  }
0x61: {  	_ =	shalt  }
0x62: {  	_ =	shalt  }
0x63: {  	_ =	shalt  }
0x64: {  	_ =	shalt  }
0x65: {  	_ =	shalt  }
0x66: {  	_ =	shalt  }
0x67: {  	_ =	shalt  }
0x68: {  	_ =	shalt  }
0x69: {  	_ =	shalt  }
0x6a: {  	_ =	shalt  }
0x6b: {  	_ =	shalt  }
0x6c: {  	_ =	shalt  }
0x6d: {  	_ =	shalt  }
0x6e: {  	_ =	shalt  }
0x6f: {  	_ =	shalt  }
0x70: {  	_ =	shalt  }
0x71: {  	_ =	shalt  }
0x72: {  	_ =	shalt  }
0x73: {  	_ =	shalt  }
0x74: {  	_ =	shalt  }
0x75: {  	_ =	shalt  }
0x76: {  	_ =	shalt  }
0x77: {  	_ =	shalt  }
0x78: {  	_ =	shalt  }
0x79: {  	_ =	shalt  }
0x7a: {  	_ =	shalt  }
0x7b: {  	_ =	shalt  }
0x7c: {  	_ =	shalt  }
0x7d: {  	_ =	shalt  }
0x7e: {  	_ =	shalt  }
0x7f: {  	_ =	shalt  }
0x80: {  	_ =	shalt  }
0x81: {  	_ =	shalt  }
0x82: {  	_ =	shalt  }
0x83: {  	_ =	shalt  }
0x84: {  	_ =	shalt  }
0x85: {  	_ =	shalt  }
0x86: {  	_ =	shalt  }
0x87: {  	_ =	shalt  }
.Lfunc_end0:
.L_simem_size_0:
called_computation.2_lowered:
.L_overlay_start_0:
0x88: {  	s2 =	sld [smem:$0x3FD9]  }
0x89: {  	s3 =	sld [smem:$0x3FFE];
	_ =	sdelay $0x1  }
0x8a: {  	s1 =	srdreg.scid  }
0x8b: {  	s0 =	sand.u32 $0x1, s1  }
0x8c: {  	s16 =	sshll.u32 s0, $0xA;
	s2 =	sadd.s32 s3, s2  }
0x8d: {  	s2 =	sadd.s32 s2, s16  }
0x8e: {  	[smem:$0x3FC2] =	sst s2  }
0x8f: {  	_ = 	snop  }
0x90: {  	(tm) =	ssettm $0x1  }
0x91: {  	s17 =	sld [smem:$0x3FFB];
	_ =	sdelay $0x3  }
0x92: {  	_ =	strace s17  }
0x93: {  	s2 =	sld [smem:$0x3FFC];
	_ =	sdelay $0x3  }
0x94: {  	_ =	strace s2  }
0x95: {  	s2 =	sld [smem:$0x3FFD];
	_ =	sdelay $0x3  }
0x96: {  	_ =	strace s2  }
0x97: {  	_ =	strace $0x8FFFFFFF  }
0x98: {  	s18 =	sld [smem:$0x3FDB];
	_ =	sdelay $0x1  }
0x99: {  	s19 =	simm.s32 $_scs_section_size  }
0x9a: {  	s4 =	simm.s32 $_size__tile_overlayer_lowered;
	s5 =	simm.s32 $_tile_overlayer_lowered  }
0x9b: {  	s22 =	simm.s32 $0x1BFF;
	s21 =	sshll.u32 s5, $0x1;
	s2 =	sadd.s32 s19, s18  }
0x9c: {  	s6 =	simm.s32 $0x0;
	s20 =	sshll.u32 s4, $0x1;
	s4 =	sadd.s32 s21, s2  }
0x9d: {  	[timem:s6], [sflag:s22] =	dma.local [hbm:s4], s20  }
0x9e: {  	_ =	swait.ge [sflag:s22], s20  }
0x9f: {  	s3 =	ssub.s32 $0x0, s20;
	[sflag:s22] =	ssyncset.done $0x0  }
0xa0: {  	[sflag:s22] =	ssyncadd.s32 s3;
	_ =	sdelay $0x1  }
0xa1: {  	s23 =	simm.s32 $0x1B8B  }
0xa2: {  	_ =	swait.ge [sflag:s23], $0x1  }
0xa3: {  	[sflag:s23] =	ssyncset.done $0x0  }
0xa4: {  	s25 =	simm.s32 $0x1B8E;
	s24 =	sld [smem:$0x3FFE];
	[sflag:s23] =	ssyncadd.s32 $0xFFFFFFFF  }
0xa5: {  	s26 =	simm.s32 $execute0_lowered;
	[smem:$0x3FD2] =	sst s25  }
0xa6: {  	s4 =	sshll.u32 s26, $0x1;
	_ =	strace $0x80000049;
	[dreg:$0x1] =	wrdreg $0xFFFFFFFF  }
0xa7: {  	s28 =	simm.s32 $_size_execute0_lowered;
	s2 =	sadd.s32 s2, s4;
	[dreg:$0x0] =	wrdreg $0x0  }
0xa8: {  	s4 =	sshll.u32 s28, $0x1;
	[dreg:$0x2] =	wrdreg s2  }
0xa9: {  	[dreg:$0x3] =	wrdreg s4  }
0xaa: {  	[dreg:$0x4] =	wrdreg $0xC0  }
0xab: {  	_ =	task [dreg:s6], $0x5FFFF  }
0xac: {  	[dreg:$0x1] =	wrdreg $0xFFFFFFFF  }
0xad: {  	[dreg:$0x0] =	wrdreg $0x60  }
0xae: {  	[dreg:$0x2] =	wrdreg s24  }
0xaf: {  	[dreg:$0x3] =	wrdreg $0x9  }
0xb0: {  	_ =	task.clear_ibuf [dreg:s6], $0x4FFFF;
	_ =	strace $0x90000049  }
0xb1: {  	s29 =	simm.s32 $0x9;
	_ =	strace $0x8000004B  }
0xb2: {  	_ =	swait.ge [sflag:s29], $0x1  }
0xb3: {  	[sflag:s29] =	ssyncadd.s32 $0xFFFFFFFF  }
0xb4: {  	_ =	strace $0x9000004B  }
0xb5: {  	_ =	sfence  }
0xb6: {  	s30 =	sld [smem:$0x0];
	_ =	sdelay $0x2  }
0xb7: {  	s31 =	sshll.u32 s1, $0xD;
	s1 =	sshrl.u32 s1, $0x2  }
0xb8: {  	s3 =	sand.u32 $0x4000, s31;
	s1 =	sadd.s32 s1, s30  }
0xb9: {  	s0 =	sor.u32 s3, s0;
	s1 =	sshll.u32 s1, $0x11  }
0xba: {  	s0 =	sor.u32 s1, s0  }
0xbb: {  	s0 =	sadd.s32 $0x8F2B, s0  }
0xbc: {  	[sflag:s0] =	ssyncadd.remote.s32 $0x1  }
0xbd: {  	_ =	sfence.sel $0xFFFF  }
0xbe: {  	[dreg:$0x0] =	wrdreg $0xFFFFFFFF;
	(pc) =	sbr.abs _section_cstart, $3  }
0xbf: {  	[dreg:$0x1] =	wrdreg $0xFFFFFFFF  }
0xc0: {  	_ =	task.clear_ibuf [dreg:s6], $0x2FFFF;
	_ =	strace $0x9FFFFFFF  }
0xc1: {  	(tm) =	ssettm $0x7FFFFFFF  }
tec
execute0_lowered:
.L_overlay_start_1:
0x0: {  	(tag) =	ssettag $0x1  }
0x1: {  	s0 =	srdreg.scid  }
0x2: {  	s1 =	sshll.u32 s0, $0x4  }
0x3: {  	s0 =	stileid.u32;
	s1 =	sand.u32 $0x10, s1  }
0x4: {  	s2 =	sor.u32 s0, s1  }
0x5: {  	s1 =	smin.u32 s2, $0x12  }
0x6: {  	s1 =	sadd.s32 s2, s1  }
0x7: {  	p0 =	slt.u32 s2, $0x12;
	s2 =	simm.s32 $0x320;
	s1 =	smul.u32 $0x190, s1  }
0x8: {  	s2 =	simm.s32 @!p0 $0x190  }
0x9: {  	s2 =	sadd.s32 s2, s1  }
0xa: {  	s3 =	smin.u32 s2, $0x4E20  }
0xb: {  	s7 =	ssub.s32 s3, s1  }
0xc: {  	p0 =	sgt.s32 s7, $0x0  }
0xd: {  	s7 =	simm.s32 @!p0 $0x0  }
0xe: {  	s31 =	sand.u32 $0xFFF0, s7  }
0xf: {  	s2 =	sshrl.u32 s31, $0x4  }
0x10: {  	s2 =	smul.u32 $0xA3E, s2  }
0x11: {  	s9 =	rddreg [dreg:$0x0];
	s6 =	simm.s32 $0x1;
	s11 =	simm.s32 $0x3  }
0x12: {  	s13 =	simm.s32 $0x0;
	s12 =	simm.s32 $0x0;
	s8 =	sshrl.u32 s2, $0x10  }
0x13: {  	s4 =	sadd.s32 $0x1800, s9;
	s5 =	sadd.s32 $0x4FA00, s9;
	s10 =	smul.u32 $0x190, s8  }
.Ltmp0:
0x14: {  	s9 =	sadd.s32 $0x50400, s9;
	s2 =	rddreg [dreg:$0x1];
	(pc) =	sbr.rel .LBB2_1-.Ltmp0, $4  }
0x15: {  	_ =	strace $0x8000004A;
	p0 =	sne.s32 s7, s10;
	s10 =	simm.s32 $0x1  }
0x16: {  	[sflag:s6] =	ssyncpa.u1 $0x0;
	s7 =	simm.s32 $0x2;
	s10 =	simm.s32 @!p0 $0x0  }
0x17: {  	[sflag:s7] =	ssyncpa.u1 $0x0;
	p0 =	por $0x0, $0x0;
	s8 =	sadd.s32 s8, s10  }
0x18: {  	v0 =	vimm.s32 $0x0;
	vm0 =	vmmov $0xff;
	vm1 =	vcmask $0x3F20;
	[sflag:s11] =	ssyncpa.u1 $0x0;
	s11 =	smov.u32 s1;
	s10 =	sadd.s32 $0x1, s8  }
.LBB2_6:
0x19: {  	[hbm:s17] =	stream.linear.scatter [tilespmem:s14], [sflag:$0x3], $0x400, $0x38;
	[tilespmem:$0x19320] =	vst v63  }
.LBB2_7:
0x1a: {  	s13 =	sadd.s32 $0x190, s11  }
0x1b: {  	s15 =	smov.u32 s1;
	p2 =	slt.s32 s13, s3  }
0x1c: {  	s15 =	smov.u32 @p2 s13;
	p2 =	sne.s32 s12, s10  }
.Ltmp1:
0x1d: {  	p1 =	slt.u32 s12, $0x2;
	(pc) =	sbr.rel @!p2 .LBB2_8-.Ltmp1, $4  }
0x1e: {  	s14 =	simm.s32 @!p1 $0x3  }
0x1f: {  	s16 =	sadd.s32 $0x1, s12;
	_ =	swait.ge @!p1 [sflag:s14], $0xC800  }
0x20: {  	p0 =	por !p0, !p0;
	s13 =	smov.u32 s11;
	[sflag:s14] =	ssyncset.done @!p1 $0x0  }
0x21: {  	s12 =	smov.u32 s16;
	s11 =	smov.u32 s15;
	[sflag:s14] =	ssyncadd.s32 @!p1 $0xFFFF3800  }
.LBB2_1:
0x22: {  	p1 =	sge.u32 s12, s8  }
0x23: {  	s14 =	sxor.u32 @!p1 $0xFFFFFFFF, s12  }
0x24: {  	s14 =	sand.u32 @!p1 $0x1, s14  }
0x25: {  	s14 =	smul.u32 @!p1 $0x640, s14  }
0x26: {  	s31 =	sadd.s32 $0xFFFFFFFF, s12;
	s15 =	sshrl.u32 @!p1 s11, $0x3  }
0x27: {  	s16 =	sand.u32 @!p1 $0x7, s11;
	s15 =	sadd.s32 @!p1 s5, s15;
	s14 =	sshrl.u32 @!p1 s14, $0x2  }
0x28: {  	[tilespmem:s14], [sflag:$0x2] =	stream.linear.gather @!p1 [hbm4b:s15+s16], $0x190, $0x38;
	[tilespmem:$0x19320] =	vst v63  }
0x29: {  	p1 =	sge.u32 s31, s8  }
.Ltmp2:
0x2a: {  	_ = 	snop;
	(pc) =	sbr.rel @p1 .LBB2_7-.Ltmp2, $1  }
0x2b: {  	_ =	sdelay $0x3  }
0x2c: {  	s14 =	simm.s32 $0x1  }
0x2d: {  	s14 =	simm.s32 @!p0 $0x0  }
0x2e: {  	s15 =	smul.u32 $0x640, s14  }
0x2f: {  	_ =	swait.ge [sflag:s7], $0x190  }
0x30: {  	[sflag:s7] =	ssyncset.done $0x0;
	s16 =	sshrl.u32 s15, $0x2  }
0x31: {  	[sflag:s7] =	ssyncadd.s32 $0xFFFFFE70;
	s15 =	sadd.s32 $0x0, s16  }
0x32: {  	v1 =	vld.msk [tilespmem:s15+$0x0 ss:$0x1], $0xffff;
	_ =	sdelay $0x4  }
0x33: {  	v2 =	vand.u32 $0x1, v1;
	v3 =	vshll.u32 v1, $0x6  }
0x34: {  	vm2 =	veq.s32 v1, $0x80000000;
	vm3 =	veq.s32 v2, $0x1;
	v1 =	vand.u32 $0x1FFF80, v3  }
0x35: {  	v2 =	vsel vm3, $0x138800, v0;
	v1 =	vsel vm2, $0xFFFFFF80, v1  }
0x36: {  	v2 =	vsel vm2, $0xFFEC7800, v2;
	v3 =	vand.u32 $0xFFFFFC00, v1  }
0x37: {  	v1 =	vand.u32 $0x380, v1;
	v2 =	vadd.s32 v2, v3  }
0x38: {  	v1 =	vor.u32 v1, v2  }
0x39: {  	v1 =	vshrl.u32 v1, $0x3  }
0x3a: {  	s14 =	smul.u32 $0x32000, s14;
	_ =	sdelay $0x1  }
0x3b: {  	s14 =	sshrl.u32 s14, $0x2  }
0x3c: {  	s14 =	sor.u32 $0x320, s14  }
0x3d: {  	[tilespmem:s14], [sflag:$0x1] =	stream.indirect_vreg.gather [hbm:s4], $0x80, v1, vm0, $0x38;
	[tilespmem:$0x19320] =	vst v63  }
0x3e: {  	s17 =	sadd.s32 $0x10, s16;
	s15 =	sadd.s32 $0x400, s14  }
0x3f: {  	[tilespmem:s15], [sflag:$0x1] =	stream.indirect_vreg.gather [hbm:s4], $0x80, v1, vm1, $0x38;
	[tilespmem:$0x19320] =	vst v63  }
0x40: {  	s18 =	simm.s32 $0x80;
	v1 =	vld.msk [tilespmem:s17+$0x0 ss:$0x1], $0xffff;
	s17 =	smov.u32 s14  }
.LBB2_3:
0x41: {  	p1 =	sne.s32 s18, $0x600;
	_ =	sdelay $0x4  }
0x42: {  	v2 =	vand.u32 $0x1, v1;
	v3 =	vshll.u32 v1, $0x6  }
0x43: {  	vm2 =	veq.s32 v1, $0x80000000;
	vm3 =	veq.s32 v2, $0x1;
	v1 =	vand.u32 $0x1FFF80, v3  }
0x44: {  	v2 =	vsel vm3, $0x138800, v0;
	v1 =	vsel vm2, $0xFFFFFF80, v1  }
0x45: {  	v2 =	vsel vm2, $0xFFEC7800, v2;
	v3 =	vand.u32 $0xFFFFFC00, v1  }
0x46: {  	v1 =	vand.u32 $0x380, v1;
	v2 =	vadd.s32 v2, v3  }
0x47: {  	v1 =	vor.u32 v1, v2  }
0x48: {  	v1 =	vshrl.u32 v1, $0x3;
	_ =	sdelay $0x3  }
.Ltmp3:
0x49: {  	s19 =	sshra.s32 s18, $0x2;
	s17 =	sadd.s32 $0x800, s17;
	(pc) =	sbr.rel @p1 .LBB2_3-.Ltmp3, $4  }
0x4a: {  	[tilespmem:s17], [sflag:$0x1] =	stream.indirect_vreg.gather [hbm:s4], $0x80, v1, vm0, $0x38;
	[tilespmem:$0x19320] =	vst v63  }
0x4b: {  	s19 =	sadd.s32 s19, s16;
	s20 =	sadd.s32 $0x400, s17  }
0x4c: {  	[tilespmem:s20], [sflag:$0x1] =	stream.indirect_vreg.gather [hbm:s4], $0x80, v1, vm1, $0x38;
	[tilespmem:$0x19320] =	vst v63  }
0x4d: {  	s18 =	sadd.s32 $0x40, s18;
	v1 =	vld.msk [tilespmem:s19+$0x0 ss:$0x1], $0xffff  }
0x4e: {  	_ =	sdelay $0x3  }
0x4f: {  	v2 =	vand.u32 $0x1, v1;
	v3 =	vshll.u32 v1, $0x6  }
0x50: {  	vm2 =	veq.s32 v1, $0x80000000;
	vm3 =	veq.s32 v2, $0x1;
	v1 =	vand.u32 $0x1FFF80, v3  }
0x51: {  	v2 =	vsel vm3, $0x138800, v0;
	v1 =	vsel vm2, $0xFFFFFF80, v1  }
0x52: {  	v2 =	vsel vm2, $0xFFEC7800, v2;
	v3 =	vand.u32 $0xFFFFFC00, v1  }
0x53: {  	v1 =	vand.u32 $0x380, v1;
	v2 =	vadd.s32 v2, v3  }
0x54: {  	v1 =	vor.u32 v1, v2  }
0x55: {  	v1 =	vshrl.u32 v1, $0x3;
	_ =	sdelay $0x3  }
0x56: {  	s16 =	sadd.s32 $0x800, s17  }
0x57: {  	[tilespmem:s16], [sflag:$0x1] =	stream.indirect_vreg.gather [hbm:s4], $0x80, v1, vm0, $0x38;
	[tilespmem:$0x19320] =	vst v63  }
0x58: {  	s16 =	sadd.s32 $0x400, s16  }
0x59: {  	[tilespmem:s16], [sflag:$0x1] =	stream.indirect_vreg.gather [hbm:s4], $0x80, v1, vm1, $0x38;
	[tilespmem:$0x19320] =	vst v63  }
0x5a: {  	s13 =	sshll.u32 s13, $0x4;
	_ =	swait.ge [sflag:s6], $0xC800  }
0x5b: {  	s13 =	sadd.s32 s13, s9;
	[sflag:s6] =	ssyncset.done $0x0  }
0x5c: {  	s17 =	sadd.s32 $0x0, s13;
	s16 =	simm.s32 $0x80;
	[sflag:s6] =	ssyncadd.s32 $0xFFFF3800  }
.LBB2_5:
0x5d: {  	[hbm:s17] =	stream.linear.scatter [tilespmem:s14], [sflag:$0x3], $0x400, $0x38;
	[tilespmem:$0x19320] =	vst v63  }
0x5e: {  	s17 =	smov.u32 s16;
	s14 =	smov.u32 s15;
	p1 =	sne.s32 s16, $0x1880  }
.Ltmp4:
0x5f: {  	s16 =	sadd.s32 $0x80, s16;
	(pc) =	sbr.rel @p1 .LBB2_5-.Ltmp4, $2  }
0x60: {  	_ =	sdelay $0x2  }
0x61: {  	s15 =	sadd.s32 $0x400, s15;
	s17 =	sadd.s32 s17, s13  }
.Ltmp5:
0x62: {  	_ = 	snop;
	(pc) =	sbr.rel .LBB2_6-.Ltmp5, $1  }
0x63: {  	_ =	sdelay $0x3  }
.LBB2_8:
0x64: {  	_ =	sfence.sel $0x180000  }
0x65: {  	s1 =	simm.s32 $0x2;
	[bflag:$0x0] =	sbarrier.arrive $0xFFFF  }
0x66: {  	s30 =	simm.s32 $0x3;
	[sflag:s1] =	ssyncpa.u1 $0x1  }
0x67: {  	s31 =	simm.s32 $0x1;
	[sflag:s30] =	ssyncpa.u1 $0x1  }
0x68: {  	[sflag:s31] =	ssyncpa.u1 $0x1  }
0x69: {  	p0 =	sne.s32 s0, $0x0;
	_ =	strace $0x9000004A  }
0x6a: {  	s0 =	sadd.s32 @!p0 $0x100000, s2;
	[bflag:$0x2] =	sbarrier.arrive $0xFFFF  }
0x6b: {  	[sflag:s0] =	ssyncadd.tile.s32 @!p0 $0x1;
	_ =	shalt  }
.Lfunc_end2:
_tile_overlayer_lowered:
.L_overlay_start_2:
0x6c: {  	(tag) =	ssettag $0x2  }
0x6d: {  	s0 =	rddreg [dreg:$0x0];
	s2 =	stileid.u32  }
0x6e: {  	s1 =	rddreg [dreg:$0x1];
	p0 =	sne.s32 s2, $0x0  }
0x6f: {  	s3 =	rddreg [dreg:$0x2];
	[bflag:$0x3] =	sbarrier.arrive $0xFFFF;
	s2 =	simm.s32 @!p0 $0x1C01  }
0x70: {  	[timem:s3], [sflag:s2] =	dma.local @!p0 [hbm:s0], s1  }
0x71: {  	s0 =	simm.s32 @!p0 $0x1  }
0x72: {  	_ =	swait.ge @!p0 [sflag:s0], s1  }
0x73: {  	s1 =	ssub.s32 @!p0 $0x0, s1;
	[sflag:s0] =	ssyncset.done @!p0 $0x0  }
0x74: {  	[sflag:s0] =	ssyncadd.s32 @!p0 s1  }
0x75: {  	[bflag:$0x3] =	sbarrier.arrive $0xFFFF  }
0x76: {  	_ =	shalt  }

// kernel: gather_offload_async_start
scs
__scs_entry_jumppad:
0x0: {  	(pc) =	sbr.rel $0x88, $3  }
0x1: {  	(tag) =	ssettag $0x0;
	lr =	simm.s32 $0x1  }
0x2: {  	[smem:$0x3F9B] =	sst lr;
	_ =	strace $0xD0000000  }
0x3: {  	_ = 	snop  }
0x4: {  	_ = 	snop  }
0x5: {  	_ = 	snop  }
0x6: {  	_ = 	snop  }
0x7: {  	_ = 	snop  }
__scs_overlays_trampoline_lowered:
0x8: {  	[smem:$0x3FAA] =	sst s0  }
0x9: {  	[smem:$0x3FAB] =	sst s1  }
0xa: {  	[smem:$0x3FAC] =	sst s2  }
0xb: {  	[smem:$0x3FAD] =	sst s3  }
0xc: {  	[smem:$0x3FAE] =	sst s4  }
0xd: {  	[smem:$0x3FAF] =	sst s5  }
0xe: {  	[smem:$0x3FB0] =	sst s6  }
0xf: {  	[smem:$0x3FB1] =	sst s7  }
0x10: {  	[smem:$0x3FB2] =	sst s8  }
0x11: {  	[smem:$0x3FB3] =	sst s9;
	s0 =	simm.s32 @!p0 $0x0  }
0x12: {  	s1 =	sld [smem:$0x3F99];
	s0 =	simm.s32 @p0 $0x1  }
0x13: {  	[smem:$0x3FB4] =	sst s0;
	s0 =	simm.s32 @!p1 $0x0  }
0x14: {  	s2 =	sld [smem:$0x3F98];
	s0 =	simm.s32 @p1 $0x1  }
0x15: {  	[smem:$0x3FB5] =	sst s0;
	s0 =	simm.s32 @!p2 $0x0  }
0x16: {  	s3 =	sld [smem:$0x3FDB];
	s0 =	simm.s32 @p2 $0x1  }
0x17: {  	s4 =	simm.s32 $0x1BF5;
	[smem:$0x3FB7] =	sst s0  }
0x18: {  	s0 =	sld [smem:$0x3F9A];
	_ =	swait.ge [sflag:s4], $0x0  }
0x19: {  	s7 =	sld [smem:$0x3F9B]  }
0x1a: {  	s8 =	sadd.s32 $0xFFFFE003, lr  }
0x1b: {  	s9 =	sadd.s32 $0xFFFFFEF7, lr;
	s5 =	simm.s32 $0xFFFFFFFF;
	p2 =	slt.u32 s8, $0xFFFFF086  }
0x1c: {  	p1 =	slt.u32 s9, $0xF7A;
	s5 =	simm.s32 @!p2 $0x0  }
0x1d: {  	s5 =	simm.s32 @p1 $0x1;
	p0 =	seq.s32 s7, s2  }
0x1e: {  	s7 =	smul.u32 @!p0 $0xF7A, s2;
	p2 =	seq.s32 @!p0 s5, $0x0  }
0x1f: {  	s9 =	smul.u32 $0xF7A, s1;
	s8 =	simm.s32 @!p0 $0x1BF5;
	p2 =	por !p2, p0  }
0x20: {  	[sflag:s8] =	ssyncset.s32 @!p0 $0xFFFFF086;
	s6 =	sadd.s32 @!p0 s3, s7;
	s7 =	simm.s32 @!p0 $0x108  }
0x21: {  	s3 =	sadd.s32 s3, s9;
	s6 =	sadd.s32 @!p0 $0x88, s6;
	s7 =	simm.s32 @p2 $0x1082  }
0x22: {  	[simem:s7], [sflag:s8] =	dma.local @!p0 [hbm:s6], $0xF7A  }
0x23: {  	s9 =	sor.u32 $0xD0000000, s2;
	s6 =	simm.s32 $0x108;
	_ =	swait.ge @!p0 [sflag:s8], $0x0  }
0x24: {  	s3 =	sadd.s32 $0x88, s3;
	s6 =	simm.s32 @!p1 $0x1082;
	[sflag:s4] =	ssyncset.s32 $0xFFFFF086  }
0x25: {  	[simem:s6], [sflag:s4] =	dma.local [hbm:s3], $0xF7A  }
0x26: {  	[smem:$0x3F9B] =	sst s1;
	(tag) =	ssettag s2;
	_ =	strace s9  }
0x27: {  	s1 =	sld [smem:$0x3FAB]  }
0x28: {  	s2 =	sld [smem:$0x3FAC]  }
0x29: {  	s4 =	sld [smem:$0x3FAE]  }
0x2a: {  	p0 =	seq.s32 s5, $0x0;
	s5 =	sld [smem:$0x3FAF]  }
0x2b: {  	s6 =	sld [smem:$0x3FB0]  }
0x2c: {  	s7 =	sld [smem:$0x3FB1]  }
0x2d: {  	s3 =	simm.s32 $0x108;
	s8 =	sld [smem:$0x3FB2]  }
0x2e: {  	s3 =	simm.s32 @!p0 $0x1082;
	s9 =	sld [smem:$0x3FB3]  }
0x2f: {  	lr =	sadd.s32 s0, s3;
	s0 =	sld [smem:$0x3FAA]  }
0x30: {  	s3 =	sld [smem:$0x3FAD]  }
0x31: {  	[smem:$0x3FB6] =	sst s10  }
0x32: {  	s10 =	sld [smem:$0x3FB4];
	_ =	sdelay $0x3  }
0x33: {  	p0 =	seq.s32 s10, $0x1;
	s10 =	sld [smem:$0x3FB6];
	_ =	sdelay $0x3  }
0x34: {  	[smem:$0x3FB6] =	sst s10  }
0x35: {  	s10 =	sld [smem:$0x3FB5];
	_ =	sdelay $0x3  }
0x36: {  	p1 =	seq.s32 s10, $0x1;
	s10 =	sld [smem:$0x3FB6];
	_ =	sdelay $0x3  }
0x37: {  	[smem:$0x3FB6] =	sst s10  }
0x38: {  	s10 =	sld [smem:$0x3FB7]  }
0x39: {  	_ = 	snop;
	(pc) =	sbr.ind lr, $3  }
0x3a: {  	_ = 	snop  }
0x3b: {  	_ = 	snop  }
0x3c: {  	p2 =	seq.s32 s10, $0x1;
	s10 =	sld [smem:$0x3FB6]  }
0x3d: {  	_ =	shalt  }
0x3e: {  	_ =	shalt  }
0x3f: {  	_ =	shalt  }
0x40: {  	_ =	shalt  }
0x41: {  	_ =	shalt  }
0x42: {  	_ =	shalt  }
0x43: {  	_ =	shalt  }
0x44: {  	_ =	shalt  }
0x45: {  	_ =	shalt  }
0x46: {  	_ =	shalt  }
0x47: {  	_ =	shalt  }
0x48: {  	_ =	shalt  }
0x49: {  	_ =	shalt  }
0x4a: {  	_ =	shalt  }
0x4b: {  	_ =	shalt  }
0x4c: {  	_ =	shalt  }
0x4d: {  	_ =	shalt  }
0x4e: {  	_ =	shalt  }
0x4f: {  	_ =	shalt  }
0x50: {  	_ =	shalt  }
0x51: {  	_ =	shalt  }
0x52: {  	_ =	shalt  }
0x53: {  	_ =	shalt  }
0x54: {  	_ =	shalt  }
0x55: {  	_ =	shalt  }
0x56: {  	_ =	shalt  }
0x57: {  	_ =	shalt  }
0x58: {  	_ =	shalt  }
0x59: {  	_ =	shalt  }
0x5a: {  	_ =	shalt  }
0x5b: {  	_ =	shalt  }
0x5c: {  	_ =	shalt  }
0x5d: {  	_ =	shalt  }
0x5e: {  	_ =	shalt  }
0x5f: {  	_ =	shalt  }
0x60: {  	_ =	shalt  }
0x61: {  	_ =	shalt  }
0x62: {  	_ =	shalt  }
0x63: {  	_ =	shalt  }
0x64: {  	_ =	shalt  }
0x65: {  	_ =	shalt  }
0x66: {  	_ =	shalt  }
0x67: {  	_ =	shalt  }
0x68: {  	_ =	shalt  }
0x69: {  	_ =	shalt  }
0x6a: {  	_ =	shalt  }
0x6b: {  	_ =	shalt  }
0x6c: {  	_ =	shalt  }
0x6d: {  	_ =	shalt  }
0x6e: {  	_ =	shalt  }
0x6f: {  	_ =	shalt  }
0x70: {  	_ =	shalt  }
0x71: {  	_ =	shalt  }
0x72: {  	_ =	shalt  }
0x73: {  	_ =	shalt  }
0x74: {  	_ =	shalt  }
0x75: {  	_ =	shalt  }
0x76: {  	_ =	shalt  }
0x77: {  	_ =	shalt  }
0x78: {  	_ =	shalt  }
0x79: {  	_ =	shalt  }
0x7a: {  	_ =	shalt  }
0x7b: {  	_ =	shalt  }
0x7c: {  	_ =	shalt  }
0x7d: {  	_ =	shalt  }
0x7e: {  	_ =	shalt  }
0x7f: {  	_ =	shalt  }
0x80: {  	_ =	shalt  }
0x81: {  	_ =	shalt  }
0x82: {  	_ =	shalt  }
0x83: {  	_ =	shalt  }
0x84: {  	_ =	shalt  }
0x85: {  	_ =	shalt  }
0x86: {  	_ =	shalt  }
0x87: {  	_ =	shalt  }
.Lfunc_end0:
.L_simem_size_0:
called_computation_lowered:
.L_overlay_start_0:
0x88: {  	s2 =	sld [smem:$0x3FD9]  }
0x89: {  	s3 =	sld [smem:$0x3FFE];
	_ =	sdelay $0x1  }
0x8a: {  	s1 =	srdreg.scid  }
0x8b: {  	s0 =	sand.u32 $0x1, s1  }
0x8c: {  	s16 =	sshll.u32 s0, $0xA;
	s2 =	sadd.s32 s3, s2  }
0x8d: {  	s2 =	sadd.s32 s2, s16  }
0x8e: {  	[smem:$0x3FC2] =	sst s2  }
0x8f: {  	_ = 	snop  }
0x90: {  	(tm) =	ssettm $0x1  }
0x91: {  	s17 =	sld [smem:$0x3FFB];
	_ =	sdelay $0x3  }
0x92: {  	_ =	strace s17  }
0x93: {  	s2 =	sld [smem:$0x3FFC];
	_ =	sdelay $0x3  }
0x94: {  	_ =	strace s2  }
0x95: {  	s2 =	sld [smem:$0x3FFD];
	_ =	sdelay $0x3  }
0x96: {  	_ =	strace s2  }
0x97: {  	_ =	strace $0x8FFFFFFF  }
0x98: {  	s18 =	sld [smem:$0x3FDB];
	_ =	sdelay $0x1  }
0x99: {  	s19 =	simm.s32 $_scs_section_size  }
0x9a: {  	s4 =	simm.s32 $_size__tile_overlayer_lowered;
	s5 =	simm.s32 $_tile_overlayer_lowered  }
0x9b: {  	s22 =	simm.s32 $0x1BFF;
	s21 =	sshll.u32 s5, $0x1;
	s2 =	sadd.s32 s19, s18  }
0x9c: {  	s6 =	simm.s32 $0x0;
	s20 =	sshll.u32 s4, $0x1;
	s4 =	sadd.s32 s21, s2  }
0x9d: {  	[timem:s6], [sflag:s22] =	dma.local [hbm:s4], s20  }
0x9e: {  	_ =	swait.ge [sflag:s22], s20  }
0x9f: {  	s3 =	ssub.s32 $0x0, s20;
	[sflag:s22] =	ssyncset.done $0x0  }
0xa0: {  	[sflag:s22] =	ssyncadd.s32 s3;
	_ =	sdelay $0x1  }
0xa1: {  	s23 =	simm.s32 $0x1B8B  }
0xa2: {  	_ =	swait.ge [sflag:s23], $0x1  }
0xa3: {  	[sflag:s23] =	ssyncset.done $0x0  }
0xa4: {  	s25 =	simm.s32 $0x1B8E;
	s24 =	sld [smem:$0x3FFE];
	[sflag:s23] =	ssyncadd.s32 $0xFFFFFFFF  }
0xa5: {  	s26 =	simm.s32 $execute0_lowered;
	[smem:$0x3FD2] =	sst s25  }
0xa6: {  	s4 =	sshll.u32 s26, $0x1;
	_ =	strace $0x80000046;
	[dreg:$0x1] =	wrdreg $0xFFFFFFFF  }
0xa7: {  	s28 =	simm.s32 $_size_execute0_lowered;
	s2 =	sadd.s32 s2, s4;
	[dreg:$0x0] =	wrdreg $0x0  }
0xa8: {  	s4 =	sshll.u32 s28, $0x1;
	[dreg:$0x2] =	wrdreg s2  }
0xa9: {  	[dreg:$0x3] =	wrdreg s4  }
0xaa: {  	[dreg:$0x4] =	wrdreg $0xC0  }
0xab: {  	_ =	task [dreg:s6], $0x5FFFF  }
0xac: {  	[dreg:$0x1] =	wrdreg $0xFFFFFFFF  }
0xad: {  	[dreg:$0x0] =	wrdreg $0x60  }
0xae: {  	[dreg:$0x2] =	wrdreg s24  }
0xaf: {  	[dreg:$0x3] =	wrdreg $0x9  }
0xb0: {  	_ =	task.clear_ibuf [dreg:s6], $0x4FFFF;
	_ =	strace $0x90000046  }
0xb1: {  	s29 =	simm.s32 $0x9;
	_ =	strace $0x80000048  }
0xb2: {  	_ =	swait.ge [sflag:s29], $0x1  }
0xb3: {  	[sflag:s29] =	ssyncadd.s32 $0xFFFFFFFF  }
0xb4: {  	_ =	strace $0x90000048  }
0xb5: {  	_ =	sfence  }
0xb6: {  	s30 =	sld [smem:$0x0];
	_ =	sdelay $0x2  }
0xb7: {  	s31 =	sshll.u32 s1, $0xD;
	s1 =	sshrl.u32 s1, $0x2  }
0xb8: {  	s3 =	sand.u32 $0x4000, s31;
	s1 =	sadd.s32 s1, s30  }
0xb9: {  	s0 =	sor.u32 s3, s0;
	s1 =	sshll.u32 s1, $0x11  }
0xba: {  	s0 =	sor.u32 s1, s0  }
0xbb: {  	s0 =	sadd.s32 $0x8F2B, s0  }
0xbc: {  	[sflag:s0] =	ssyncadd.remote.s32 $0x1  }
0xbd: {  	_ =	sfence.sel $0xFFFF  }
0xbe: {  	[dreg:$0x0] =	wrdreg $0xFFFFFFFF;
	(pc) =	sbr.abs _section_cstart, $3  }
0xbf: {  	[dreg:$0x1] =	wrdreg $0xFFFFFFFF  }
0xc0: {  	_ =	task.clear_ibuf [dreg:s6], $0x2FFFF;
	_ =	strace $0x9FFFFFFF  }
0xc1: {  	(tm) =	ssettm $0x7FFFFFFF  }
tec
execute0_lowered:
.L_overlay_start_1:
0x0: {  	(tag) =	ssettag $0x1  }
0x1: {  	s8 =	rddreg [dreg:$0x0]  }
0x2: {  	s0 =	rddreg [dreg:$0x1];
	_ =	strace $0x80000047;
	s1 =	stileid.u32  }
0x3: {  	s3 =	srdreg.scid;
	s4 =	simm.s32 $0x1;
	s7 =	simm.s32 $0x1  }
0x4: {  	s9 =	simm.s32 $0x1;
	s10 =	simm.s32 $0x3;
	s13 =	simm.s32 $0x0  }
0x5: {  	s12 =	simm.s32 $0x0;
	s5 =	sand.u32 $0x1, s3;
	s6 =	sshll.u32 s1, $0x1  }
0x6: {  	s2 =	sadd.s32 $0xA00, s8;
	s3 =	sadd.s32 $0x4FA00, s8;
	s5 =	sor.u32 s6, s5  }
.Ltmp0:
0x7: {  	[sflag:s4] =	ssyncpa.u1 $0x0;
	p0 =	slt.u32 s5, $0x13;
	(pc) =	sbr.rel .LBB2_1-.Ltmp0, $4  }
0x8: {  	s6 =	simm.s32 $0x2;
	s7 =	simm.s32 @!p0 $0x0;
	p0 =	sne.s32 s5, $0x12  }
0x9: {  	[sflag:s6] =	ssyncpa.u1 $0x0;
	s5 =	smul.u32 $0x190, s5;
	s9 =	simm.s32 @!p0 $0x0  }
0xa: {  	s8 =	sadd.s32 $0x50400, s8;
	[sflag:s10] =	ssyncpa.u1 $0x0;
	s7 =	sadd.s32 s9, s7  }
0xb: {  	vm0 =	vmmov $0xffff;
	s10 =	simm.s32 $0x0;
	s11 =	smov.u32 s5;
	s9 =	sadd.s32 $0x1, s7  }
.LBB2_4:
0xc: {  	vm1 =	veq.s32 v4, $0x80000000;
	v56 =	vand.u32 $0x1, v4;
	v6 =	vand.u32 $0x3FFF, v6  }
0xd: {  	v2 =	vor.u32 v2, v5;
	v59 =	vshrl.u32 v1, $0x1;
	v60 =	vand.u32 $0x1, v1  }
0xe: {  	v4 =	vsel vm1, $0xFFFFFFFF, v56;
	v6 =	vsel vm1, $0xFFFFFFFF, v6;
	v2 =	vor.u32 v3, v2  }
0xf: {  	vm1 =	veq.s32 v1, $0x80000000;
	v5 =	vand.u32 $0x3FFF, v59;
	v7 =	vshrl.u32 v4, $0x1  }
0x10: {  	v57 =	vshll.u32 v6, $0x1;
	v4 =	vshll.u32 v4, $0x7;
	v1 =	vsel vm1, $0xFFFFFFFF, v60  }
0x11: {  	v5 =	vsel vm1, $0xFFFFFFFF, v5;
	v6 =	vand.u32 $0x7F, v6;
	v7 =	vmul.u32 $0x4F00, v7  }
0x12: {  	v58 =	vand.u32 $0xFFFFFF00, v57;
	v4 =	vand.u32 $0x80, v4;
	v61 =	vshrl.u32 v1, $0x1  }
0x13: {  	v62 =	vshll.u32 v5, $0x1;
	v3 =	vadd.s32 v7, v58;
	v7 =	vmul.u32 $0x4F00, v61  }
0x14: {  	v1 =	vshll.u32 v1, $0x7;
	v3 =	vor.u32 v4, v3;
	v4 =	vand.u32 $0xFFFFFF00, v62  }
0x15: {  	v1 =	vand.u32 $0x80, v1;
	v3 =	vor.u32 v6, v3;
	v4 =	vadd.s32 v7, v4  }
0x16: {  	[tilespmem:s16], [sflag:$0x1] =	stream.indirect_vreg.gather [hbm4b:s2+s10], $0x1, v0, vm0, $0x4038;
	v63 =	vand.u32 $0x7F, v5;
	v1 =	vor.u32 v1, v4;
	[tilespmem:$0x640] =	vst v63  }
0x17: {  	s15 =	sadd.s32 $0x10, s15;
	(ifvalue) =	ssetifvalue $0x7FFFFFFF;
	v0 =	vor.u32 v63, v1  }
0x18: {  	[tilespmem:s15], [sflag:$0x1] =	stream.indirect_vreg.gather [hbm4b:s2+s10], $0x1, v2, vm0, $0x4038;
	[tilespmem:$0x640] =	vst v63  }
0x19: {  	s15 =	sadd.s32 $0x10, s15;
	(ifvalue) =	ssetifvalue $0x7FFFFFFF  }
0x1a: {  	[tilespmem:s15], [sflag:$0x1] =	stream.indirect_vreg.gather [hbm4b:s2+s10], $0x1, v3, vm0, $0x4038;
	[tilespmem:$0x640] =	vst v63  }
0x1b: {  	s15 =	sadd.s32 $0x10, s15;
	(ifvalue) =	ssetifvalue $0x7FFFFFFF  }
0x1c: {  	[tilespmem:s15], [sflag:$0x1] =	stream.indirect_vreg.gather [hbm4b:s2+s10], $0x1, v0, vm0, $0x4038;
	[tilespmem:$0x640] =	vst v63  }
0x1d: {  	_ =	swait.ge [sflag:s4], $0x190  }
0x1e: {  	s30 =	sshrl.u32 s13, $0x3;
	[sflag:s4] =	ssyncset.done $0x0  }
0x1f: {  	s31 =	sand.u32 $0x7, s13;
	s15 =	sadd.s32 s8, s30;
	[sflag:s4] =	ssyncadd.s32 $0xFFFFFE70  }
0x20: {  	[hbm4b:s15+s31] =	stream.linear.scatter [tilespmem:s14], [sflag:$0x3], $0x190, $0x38;
	[tilespmem:$0x640] =	vst v63  }
.LBB2_5:
0x21: {  	s15 =	sadd.s32 $0x3200, s11  }
0x22: {  	p1 =	sgt.s32 s15, $0x4E1F  }
0x23: {  	s15 =	smov.u32 @p1 s5;
	p1 =	sne.s32 s12, s9  }
.Ltmp1:
0x24: {  	p0 =	slt.u32 s12, $0x2;
	(pc) =	sbr.rel @!p1 .LBB2_6-.Ltmp1, $4  }
0x25: {  	s14 =	simm.s32 @!p0 $0x3  }
0x26: {  	_ =	swait.ge @!p0 [sflag:s14], $0x190  }
0x27: {  	s16 =	sadd.s32 $0x1, s12;
	s13 =	smov.u32 s11;
	[sflag:s14] =	ssyncset.done @!p0 $0x0  }
0x28: {  	s12 =	smov.u32 s16;
	s11 =	smov.u32 s15;
	[sflag:s14] =	ssyncadd.s32 @!p0 $0xFFFFFE70  }
.LBB2_1:
0x29: {  	p0 =	sge.u32 s12, s7  }
0x2a: {  	s14 =	sxor.u32 @!p0 $0x1, s12  }
0x2b: {  	s14 =	smul.u32 @!p0 $0x640, s14  }
0x2c: {  	s31 =	sadd.s32 $0xFFFFFFFF, s12;
	s15 =	sshrl.u32 @!p0 s11, $0x3  }
0x2d: {  	s16 =	sand.u32 @!p0 $0x7, s11;
	s15 =	sadd.s32 @!p0 s3, s15;
	s14 =	sshra.s32 @!p0 s14, $0x2  }
0x2e: {  	[tilespmem:s14], [sflag:$0x2] =	stream.linear.gather @!p0 [hbm4b:s15+s16], $0x190, $0x38;
	[tilespmem:$0x640] =	vst v63  }
0x2f: {  	p0 =	sge.u32 s31, s7  }
.Ltmp2:
0x30: {  	_ = 	snop;
	(pc) =	sbr.rel @p0 .LBB2_5-.Ltmp2, $1  }
0x31: {  	_ =	sdelay $0x3  }
0x32: {  	s14 =	sand.u32 $0x1, s12  }
0x33: {  	_ =	swait.ge [sflag:s6], $0x190;
	p0 =	seq.s32 s14, $0x1;
	s14 =	simm.s32 $0x190  }
0x34: {  	[sflag:s6] =	ssyncset.done $0x0;
	s14 =	simm.s32 @!p0 $0x0  }
0x35: {  	[sflag:s6] =	ssyncadd.s32 $0xFFFFFE70;
	(ifvalue) =	ssetifvalue $0x7FFFFFFF;
	v0 =	vld.msk [tilespmem:s14+$0x0 ss:$0x1], $0xffff  }
0x36: {  	s15 =	sadd.s32 $0x10, s14  }
0x37: {  	v1 =	vld.msk [tilespmem:s15+$0x0 ss:$0x1], $0xffff;
	_ =	sdelay $0x2  }
0x38: {  	v2 =	vshrl.u32 v0, $0x1  }
0x39: {  	vm1 =	veq.s32 v0, $0x80000000;
	v0 =	vand.u32 $0x1, v0;
	v2 =	vand.u32 $0x3FFF, v2  }
0x3a: {  	v0 =	vsel vm1, $0xFFFFFFFF, v0;
	v6 =	vshrl.u32 v1, $0x1;
	v2 =	vsel vm1, $0xFFFFFFFF, v2  }
0x3b: {  	v3 =	vshrl.u32 v0, $0x1;
	v0 =	vshll.u32 v0, $0x7;
	vm1 =	veq.s32 v1, $0x80000000  }
0x3c: {  	s15 =	sadd.s32 $0x10, s15;
	v1 =	vand.u32 $0x1, v1;
	v4 =	vshll.u32 v2, $0x1;
	v3 =	vmul.u32 $0x4F00, v3  }
0x3d: {  	v0 =	vand.u32 $0x80, v0;
	v7 =	vand.u32 $0x7F, v2;
	v5 =	vand.u32 $0xFFFFFF00, v4;
	v4 =	vld.msk [tilespmem:s15+$0x0 ss:$0x1], $0xffff  }
0x3e: {  	v1 =	vsel vm1, $0xFFFFFFFF, v1;
	v2 =	vadd.s32 v3, v5;
	v3 =	vand.u32 $0x3FFF, v6  }
0x3f: {  	v3 =	vsel vm1, $0xFFFFFFFF, v3;
	v0 =	vor.u32 v0, v2;
	v2 =	vshrl.u32 v1, $0x1  }
0x40: {  	v1 =	vshll.u32 v1, $0x7;
	v5 =	vshll.u32 v3, $0x1;
	v8 =	vmul.u32 $0x4F00, v2  }
0x41: {  	s18 =	simm.s32 $0x30;
	s14 =	sadd.s32 $0x320, s14;
	s17 =	sadd.s32 $0x10, s15;
	v2 =	vand.u32 $0x80, v1;
	v0 =	vor.u32 v7, v0;
	v5 =	vand.u32 $0xFFFFFF00, v5  }
0x42: {  	s16 =	smov.u32 s14;
	s15 =	smov.u32 s14;
	v1 =	vld.msk [tilespmem:s17+$0x0 ss:$0x1], $0xffff;
	v3 =	vand.u32 $0x7F, v3;
	(ifvalue) =	ssetifvalue $0x7FFFFFFF;
	v6 =	vshrl.u32 v4, $0x1;
	v5 =	vadd.s32 v8, v5  }
.LBB2_3:
0x43: {  	s18 =	sadd.s32 $0x10, s18  }
0x44: {  	vm1 =	veq.s32 v4, $0x80000000;
	v4 =	vand.u32 $0x1, v4;
	v6 =	vand.u32 $0x3FFF, v6;
	s15 =	sadd.s32 $0x10, s15;
	p0 =	slt.u32 s18, $0x180  }
.Ltmp3:
0x45: {  	v5 =	vor.u32 v2, v5;
	v4 =	vsel vm1, $0xFFFFFFFF, v4;
	v7 =	vsel vm1, $0xFFFFFFFF, v6;
	(pc) =	sbr.rel @p0 .LBB2_3-.Ltmp3, $4  }
0x46: {  	v2 =	vshrl.u32 v4, $0x1;
	v6 =	vshll.u32 v7, $0x1;
	v4 =	vshll.u32 v4, $0x7;
	[tilespmem:s16], [sflag:$0x1] =	stream.indirect_vreg.gather [hbm4b:s2+s10], $0x1, v0, vm0, $0x4038;
	[tilespmem:$0x640] =	vst v63  }
0x47: {  	v0 =	vor.u32 v3, v5;
	s16 =	smov.u32 s15;
	v8 =	vmul.u32 $0x4F00, v2;
	v2 =	vand.u32 $0x80, v4  }
0x48: {  	s17 =	sadd.s32 $0x10, s17;
	v9 =	vand.u32 $0xFFFFFF00, v6  }
0x49: {  	v3 =	vand.u32 $0x7F, v7;
	v6 =	vshrl.u32 v1, $0x1;
	v5 =	vadd.s32 v8, v9;
	(ifvalue) =	ssetifvalue $0x7FFFFFFF;
	v4 =	vmovc v1;
	v1 =	vld.msk [tilespmem:s17+$0x0 ss:$0x1], $0xffff  }
.Ltmp4:
0x4a: {  	_ = 	snop;
	(pc) =	sbr.rel .LBB2_4-.Ltmp4, $1  }
0x4b: {  	_ =	sdelay $0x3  }
.LBB2_6:
0x4c: {  	_ =	sfence.sel $0x180000  }
0x4d: {  	s2 =	simm.s32 $0x2;
	[bflag:$0x0] =	sbarrier.arrive $0xFFFF  }
0x4e: {  	s30 =	simm.s32 $0x3;
	[sflag:s2] =	ssyncpa.u1 $0x1  }
0x4f: {  	s31 =	simm.s32 $0x1;
	[sflag:s30] =	ssyncpa.u1 $0x1  }
0x50: {  	[sflag:s31] =	ssyncpa.u1 $0x1  }
0x51: {  	p0 =	sne.s32 s1, $0x0;
	_ =	strace $0x90000047  }
0x52: {  	s0 =	sadd.s32 @!p0 $0x100000, s0;
	[bflag:$0x2] =	sbarrier.arrive $0xFFFF  }
0x53: {  	[sflag:s0] =	ssyncadd.tile.s32 @!p0 $0x1;
	_ =	shalt  }
.Lfunc_end2:
_tile_overlayer_lowered:
.L_overlay_start_2:
0x54: {  	(tag) =	ssettag $0x2  }
0x55: {  	s0 =	rddreg [dreg:$0x0];
	s2 =	stileid.u32  }
0x56: {  	s1 =	rddreg [dreg:$0x1];
	p0 =	sne.s32 s2, $0x0  }
0x57: {  	s3 =	rddreg [dreg:$0x2];
	[bflag:$0x3] =	sbarrier.arrive $0xFFFF;
	s2 =	simm.s32 @!p0 $0x1C01  }
0x58: {  	[timem:s3], [sflag:s2] =	dma.local @!p0 [hbm:s0], s1  }
0x59: {  	s0 =	simm.s32 @!p0 $0x1  }
0x5a: {  	_ =	swait.ge @!p0 [sflag:s0], s1  }
0x5b: {  	s1 =	ssub.s32 @!p0 $0x0, s1;
	[sflag:s0] =	ssyncset.done @!p0 $0x0  }
0x5c: {  	[sflag:s0] =	ssyncadd.s32 @!p0 s1  }
0x5d: {  	[bflag:$0x3] =	sbarrier.arrive $0xFFFF  }
0x5e: {  	_ =	shalt  }

</sc_bundles>
